<compile_context>
chip_gen: v7x
topology: tpu7x:2x2x1
jax: 0.10.2.dev20260603
libtpu: 0.0.44.dev20260713+nightly
codegen_flags: <defaults>
</compile_context>

<pallas_src>
import functools

import jax
import jax.numpy as jnp
from jax.experimental import pallas as pl
from jax.experimental.pallas import tpu as pltpu

N = 500000
NUM_VOX = 50000
BN = 1000
BV = 1000


def _dot_t(x, w):
    return jax.lax.dot_general(x, w, (((1,), (1,)), ((), ())),
                               preferred_element_type=jnp.float32)


def _stage1_body(x_ref, rgb_ref, w1_ref, b1_ref, wr_ref, br_ref,
                 w2a_ref, w2b_ref, b2_ref, out_ref):
    a = jnp.maximum(_dot_t(x_ref[...], w1_ref[...]) + b1_ref[...], 0.0)
    b = jnp.maximum(_dot_t(rgb_ref[...], wr_ref[...]) + br_ref[...], 0.0)
    h = _dot_t(a, w2a_ref[...]) + _dot_t(b, w2b_ref[...]) + b2_ref[...]
    out_ref[...] = jnp.maximum(h, 0.0)


def _stage2_body(pgf_ref, pf2_ref, w3a_ref, w3b_ref, b3_ref,
                 w4_ref, b4_ref, out_ref):
    h = (_dot_t(pgf_ref[...], w3a_ref[...]) + _dot_t(pf2_ref[...], w3b_ref[...])
         + b3_ref[...])
    pf4 = jnp.maximum(h, 0.0)
    out_ref[...] = jnp.maximum(_dot_t(pf4, w4_ref[...]) + b4_ref[...], 0.0)


def _mlp_body(x_ref, w_ref, b_ref, out_ref):
    out_ref[...] = jnp.maximum(_dot_t(x_ref[...], w_ref[...]) + b_ref[...], 0.0)


def _full(shape):
    return pl.BlockSpec(shape, lambda i: (0,) * len(shape))


def _rows(bn, d):
    return pl.BlockSpec((bn, d), lambda i: (i, 0))


def _stage1(x, rgb, w1, b1, wr, br, w2, b2):
    x8 = jnp.pad(x, ((0, 0), (0, 2)))
    w18 = jnp.pad(w1, ((0, 0), (0, 2)))
    w2a, w2b = w2[:, :64], w2[:, 64:]
    grid = N // BN
    return pl.pallas_call(
        _stage1_body,
        grid=(grid,),
        in_specs=[_rows(BN, 8), _rows(BN, 128), _full((64, 8)), _full((1, 64)),
                  _full((64, 128)), _full((1, 64)), _full((128, 64)),
                  _full((128, 64)), _full((1, 128))],
        out_specs=_rows(BN, 128),
        out_shape=jax.ShapeDtypeStruct((N, 128), jnp.float32),
        compiler_params=pltpu.CompilerParams(
            dimension_semantics=("arbitrary",)),
    )(x8, rgb, w18, b1[None, :], wr, br[None, :], w2a, w2b, b2[None, :])


def _stage2(pgf, pf2, w3, b3, w4, b4):
    w3a, w3b = w3[:, :128], w3[:, 128:]
    grid = N // BN
    return pl.pallas_call(
        _stage2_body,
        grid=(grid,),
        in_specs=[_rows(BN, 128), _rows(BN, 128), _full((256, 128)),
                  _full((256, 128)), _full((1, 256)), _full((256, 256)),
                  _full((1, 256))],
        out_specs=_rows(BN, 256),
        out_shape=jax.ShapeDtypeStruct((N, 256), jnp.float32),
        compiler_params=pltpu.CompilerParams(
            dimension_semantics=("arbitrary",)),
    )(pgf, pf2, w3a, w3b, b3[None, :], w4, b4[None, :])


def _vox_mlp(x, w, b):
    v, d = x.shape
    grid = v // BV
    return pl.pallas_call(
        _mlp_body,
        grid=(grid,),
        in_specs=[_rows(BV, d), _full(w.shape), _full((1, d))],
        out_specs=_rows(BV, d),
        out_shape=jax.ShapeDtypeStruct((v, d), jnp.float32),
        compiler_params=pltpu.CompilerParams(
            dimension_semantics=("arbitrary",)),
    )(x, w, b[None, :])


def kernel(inp_feat, vox2point_idx, point_rgb_feat, W1, b1, Wr, br, W2, b2,
           Wv1, bv1, W3, b3, W4, b4, Wv2, bv2):
    pf2 = _stage1(inp_feat, point_rgb_feat, W1, b1, Wr, br, W2, b2)
    vox1 = jax.ops.segment_max(pf2, vox2point_idx, num_segments=NUM_VOX)
    vox1 = jnp.where(jnp.isfinite(vox1), vox1, 0.0)
    occ = _vox_mlp(vox1, Wv1, bv1)
    pgf = occ[vox2point_idx]
    pf5 = _stage2(pgf, pf2, W3, b3, W4, b4)
    vox2 = jax.ops.segment_max(pf5, vox2point_idx, num_segments=NUM_VOX)
    vox2 = jnp.where(jnp.isfinite(vox2), vox2, 0.0)
    return _vox_mlp(vox2, Wv2, bv2)

# --- scband reference (transcript-rebuilt; emitter-appended) ---
"""Pipeline reference for scband-point-net2-stage-point-fusion-49151605735492 (READ-ONLY COPY).

The authoritative reference and input builder live on the scoring server;
editing this copy changes nothing except your own understanding.
"""

import jax, jax.numpy as jnp
import numpy as np

N = 500000
NUM_VOX = 50000


def setup_inputs(seed: int = 0) -> dict:
    key = jax.random.key(seed)
    ks = jax.random.split(key, 20)

    def p(k, shape):
        return jax.random.normal(k, shape, jnp.float32) * 0.05

    inp = {}
    inp["inp_feat"] = jax.random.normal(ks[0], (N, 6), jnp.float32)
    inp["vox2point_idx"] = jnp.sort(jax.random.randint(ks[1], (N,), 0, NUM_VOX)).astype(jnp.int32)
    inp["point_rgb_feat"] = jax.random.normal(ks[2], (N, 128), jnp.float32)
    # params sized per init_kwargs: input_channels=6, output_channels=256, gf_dim=128, rgb_feat_dim=128
    inp["W1"] = p(ks[3], (64, 6));    inp["b1"] = p(ks[4], (64,))
    inp["Wr"] = p(ks[5], (64, 128));  inp["br"] = p(ks[6], (64,))
    inp["W2"] = p(ks[7], (128, 128)); inp["b2"] = p(ks[8], (128,))
    inp["Wv1"] = p(ks[9], (128, 128)); inp["bv1"] = p(ks[10], (128,))
    inp["W3"] = p(ks[11], (256, 256)); inp["b3"] = p(ks[12], (256,))
    inp["W4"] = p(ks[13], (256, 256)); inp["b4"] = p(ks[14], (256,))
    inp["Wv2"] = p(ks[15], (256, 256)); inp["bv2"] = p(ks[16], (256,))
    return inp


def _lin(x, W, b):
    return x @ W.T + b


def reference(inp_feat, vox2point_idx, point_rgb_feat, W1, b1, Wr, br, W2, b2, Wv1, bv1, W3, b3, W4, b4, Wv2, bv2):
    point_feat1 = jax.nn.relu(_lin(inp_feat, W1, b1))
    rgb_red = jax.nn.relu(_lin(point_rgb_feat, Wr, br))
    point_feat1 = jnp.concatenate([point_feat1, rgb_red], axis=-1)
    point_feat2 = jax.nn.relu(_lin(point_feat1, W2, b2))
    occ_voxel_feat = jax.ops.segment_max(point_feat2, vox2point_idx, num_segments=NUM_VOX)
    # torch_scatter fills empty segments with 0; jax fills with -inf
    occ_voxel_feat = jnp.where(jnp.isfinite(occ_voxel_feat), occ_voxel_feat, 0.0)
    occ_voxel_feat = jax.nn.relu(_lin(occ_voxel_feat, Wv1, bv1))
    point_global_feat = occ_voxel_feat[vox2point_idx]
    point_feat3 = jnp.concatenate([point_global_feat, point_feat2], axis=-1)
    point_feat4 = jax.nn.relu(_lin(point_feat3, W3, b3))
    point_feat5 = jax.nn.relu(_lin(point_feat4, W4, b4))
    occ_voxel_feat2 = jax.ops.segment_max(point_feat5, vox2point_idx, num_segments=NUM_VOX)
    occ_voxel_feat2 = jnp.where(jnp.isfinite(occ_voxel_feat2), occ_voxel_feat2, 0.0)
    occ_voxel_feat2 = jax.nn.relu(_lin(occ_voxel_feat2, Wv2, bv2))
    return occ_voxel_feat2

if __name__ == "__main__":
    import jax
    _d = setup_inputs()
    print(jax.jit(kernel)(*tuple(_d.values())))

</pallas_src>

<mosaic_0001>
module attributes {stable_mosaic.version = 14 : i64} {
  func.func @_stage1_body(%arg0: i32, %arg1: memref<1000x8xf32, #tpu.memory_space<vmem>>, %arg2: memref<1000x128xf32, #tpu.memory_space<vmem>>, %arg3: memref<64x8xf32, #tpu.memory_space<vmem>>, %arg4: memref<1x64xf32, #tpu.memory_space<vmem>>, %arg5: memref<64x128xf32, #tpu.memory_space<vmem>>, %arg6: memref<1x64xf32, #tpu.memory_space<vmem>>, %arg7: memref<128x64xf32, #tpu.memory_space<vmem>>, %arg8: memref<128x64xf32, #tpu.memory_space<vmem>>, %arg9: memref<1x128xf32, #tpu.memory_space<vmem>>, %arg10: memref<1000x128xf32, #tpu.memory_space<vmem>>) attributes {dimension_semantics = [#tpu.dimension_semantics<arbitrary>], iteration_bounds = array<i64: 500>, scalar_prefetch = 0 : i64, scratch_operands = 0 : i64, tpu.core_type = #tpu.core_type<tc>, window_params = [{transform_indices = @transform_0, window_bounds = array<i64: 1000, 8>}, {transform_indices = @transform_1, window_bounds = array<i64: 1000, 128>}, {pipeline_mode = #tpu.pipeline_mode<synchronous>, transform_indices = @transform_2, window_bounds = array<i64: 64, 8>}, {pipeline_mode = #tpu.pipeline_mode<synchronous>, transform_indices = @transform_3, window_bounds = array<i64: 1, 64>}, {pipeline_mode = #tpu.pipeline_mode<synchronous>, transform_indices = @transform_4, window_bounds = array<i64: 64, 128>}, {pipeline_mode = #tpu.pipeline_mode<synchronous>, transform_indices = @transform_5, window_bounds = array<i64: 1, 64>}, {pipeline_mode = #tpu.pipeline_mode<synchronous>, transform_indices = @transform_6, window_bounds = array<i64: 128, 64>}, {pipeline_mode = #tpu.pipeline_mode<synchronous>, transform_indices = @transform_7, window_bounds = array<i64: 128, 64>}, {pipeline_mode = #tpu.pipeline_mode<synchronous>, transform_indices = @transform_8, window_bounds = array<i64: 1, 128>}, {transform_indices = @transform_9, window_bounds = array<i64: 1000, 128>}]} {
    %get3A = arith.constant 0 : index
    %get3A_0 = arith.constant 0 : index
    %get3A_1 = vector.load %arg1[%get3A, %get3A_0] : memref<1000x8xf32, #tpu.memory_space<vmem>>, vector<1000x8xf32>
    %get3A_2 = arith.constant 0 : index
    %get3A_3 = arith.constant 0 : index
    %get3A_4 = vector.load %arg3[%get3A_2, %get3A_3] : memref<64x8xf32, #tpu.memory_space<vmem>>, vector<64x8xf32>
    %dot_general3A = arith.constant dense<0.000000e+00> : vector<1000x64xf32>
    %dot_general3A_5 = tpu.matmul %get3A_1, %get3A_4, %dot_general3A {dimension_numbers = #tpu.dot_dimension_numbers<[1], [1], [0], [0], [0, 0, 1, 0], [], []>, transpose_lhs_hint = false} : vector<1000x8xf32>, vector<64x8xf32>, vector<1000x64xf32> -> vector<1000x64xf32>
    %get3A_6 = arith.constant 0 : index
    %get3A_7 = arith.constant 0 : index
    %get3A_8 = vector.load %arg4[%get3A_6, %get3A_7] : memref<1x64xf32, #tpu.memory_space<vmem>>, vector<1x64xf32>
    %add3A = vector.broadcast %get3A_8 : vector<1x64xf32> to vector<1000x64xf32>
    %add3A_9 = arith.addf %dot_general3A_5, %add3A : vector<1000x64xf32>
    %max3A = arith.constant 0.000000e+00 : f32
    %max3A_10 = vector.broadcast %max3A : f32 to vector<1000x64xf32>
    %max3A_11 = arith.maximumf %add3A_9, %max3A_10 : vector<1000x64xf32>
    %get3A_12 = arith.constant 0 : index
    %get3A_13 = arith.constant 0 : index
    %get3A_14 = vector.load %arg2[%get3A_12, %get3A_13] : memref<1000x128xf32, #tpu.memory_space<vmem>>, vector<1000x128xf32>
    %get3A_15 = arith.constant 0 : index
    %get3A_16 = arith.constant 0 : index
    %get3A_17 = vector.load %arg5[%get3A_15, %get3A_16] : memref<64x128xf32, #tpu.memory_space<vmem>>, vector<64x128xf32>
    %dot_general3A_18 = arith.constant dense<0.000000e+00> : vector<1000x64xf32>
    %dot_general3A_19 = tpu.matmul %get3A_14, %get3A_17, %dot_general3A_18 {dimension_numbers = #tpu.dot_dimension_numbers<[1], [1], [0], [0], [0, 0, 1, 0], [], []>, transpose_lhs_hint = false} : vector<1000x128xf32>, vector<64x128xf32>, vector<1000x64xf32> -> vector<1000x64xf32>
    %get3A_20 = arith.constant 0 : index
    %get3A_21 = arith.constant 0 : index
    %get3A_22 = vector.load %arg6[%get3A_20, %get3A_21] : memref<1x64xf32, #tpu.memory_space<vmem>>, vector<1x64xf32>
    %add3A_23 = vector.broadcast %get3A_22 : vector<1x64xf32> to vector<1000x64xf32>
    %add3A_24 = arith.addf %dot_general3A_19, %add3A_23 : vector<1000x64xf32>
    %max3A_25 = arith.constant 0.000000e+00 : f32
    %max3A_26 = vector.broadcast %max3A_25 : f32 to vector<1000x64xf32>
    %max3A_27 = arith.maximumf %add3A_24, %max3A_26 : vector<1000x64xf32>
    %get3A_28 = arith.constant 0 : index
    %get3A_29 = arith.constant 0 : index
    %get3A_30 = vector.load %arg7[%get3A_28, %get3A_29] : memref<128x64xf32, #tpu.memory_space<vmem>>, vector<128x64xf32>
    %dot_general3A_31 = arith.constant dense<0.000000e+00> : vector<1000x128xf32>
    %dot_general3A_32 = tpu.matmul %max3A_11, %get3A_30, %dot_general3A_31 {dimension_numbers = #tpu.dot_dimension_numbers<[1], [1], [0], [0], [0, 0, 1, 0], [], []>, transpose_lhs_hint = false} : vector<1000x64xf32>, vector<128x64xf32>, vector<1000x128xf32> -> vector<1000x128xf32>
    %get3A_33 = arith.constant 0 : index
    %get3A_34 = arith.constant 0 : index
    %get3A_35 = vector.load %arg8[%get3A_33, %get3A_34] : memref<128x64xf32, #tpu.memory_space<vmem>>, vector<128x64xf32>
    %dot_general3A_36 = arith.constant dense<0.000000e+00> : vector<1000x128xf32>
    %dot_general3A_37 = tpu.matmul %max3A_27, %get3A_35, %dot_general3A_36 {dimension_numbers = #tpu.dot_dimension_numbers<[1], [1], [0], [0], [0, 0, 1, 0], [], []>, transpose_lhs_hint = false} : vector<1000x64xf32>, vector<128x64xf32>, vector<1000x128xf32> -> vector<1000x128xf32>
    %add3A_38 = arith.addf %dot_general3A_32, %dot_general3A_37 : vector<1000x128xf32>
    %get3A_39 = arith.constant 0 : index
    %get3A_40 = arith.constant 0 : index
    %get3A_41 = vector.load %arg9[%get3A_39, %get3A_40] : memref<1x128xf32, #tpu.memory_space<vmem>>, vector<1x128xf32>
    %add3A_42 = vector.broadcast %get3A_41 : vector<1x128xf32> to vector<1000x128xf32>
    %add3A_43 = arith.addf %add3A_38, %add3A_42 : vector<1000x128xf32>
    %max3A_44 = arith.constant 0.000000e+00 : f32
    %max3A_45 = vector.broadcast %max3A_44 : f32 to vector<1000x128xf32>
    %max3A_46 = arith.maximumf %add3A_43, %max3A_45 : vector<1000x128xf32>
    %swap3A = arith.constant 0 : index
    %swap3A_47 = arith.constant 0 : index
    %swap3A_48 = vector.load %arg10[%swap3A, %swap3A_47] : memref<1000x128xf32, #tpu.memory_space<vmem>>, vector<1000x128xf32>
    tpu.vector_store %arg10[%swap3A, %swap3A_47], %max3A_46 {strides = array<i32>} : memref<1000x128xf32, #tpu.memory_space<vmem>>, vector<1000x128xf32>,
    return
  }
  func.func @transform_0(%arg0: i32) -> (i32, i32) {
    %c0_i32 = arith.constant 0 : i32
    %c0_i32_0 = arith.constant 0 : i32
    return %arg0, %c0_i32 : i32, i32
  }
  func.func @transform_1(%arg0: i32) -> (i32, i32) {
    %c0_i32 = arith.constant 0 : i32
    %c0_i32_0 = arith.constant 0 : i32
    return %arg0, %c0_i32 : i32, i32
  }
  func.func @transform_2(%arg0: i32) -> (i32, i32) {
    %c0_i32 = arith.constant 0 : i32
    %c0_i32_0 = arith.constant 0 : i32
    %c0_i32_1 = arith.constant 0 : i32
    return %c0_i32, %c0_i32_0 : i32, i32
  }
  func.func @transform_3(%arg0: i32) -> (i32, i32) {
    %c0_i32 = arith.constant 0 : i32
    %c0_i32_0 = arith.constant 0 : i32
    %c0_i32_1 = arith.constant 0 : i32
    return %c0_i32, %c0_i32_0 : i32, i32
  }
  func.func @transform_4(%arg0: i32) -> (i32, i32) {
    %c0_i32 = arith.constant 0 : i32
    %c0_i32_0 = arith.constant 0 : i32
    %c0_i32_1 = arith.constant 0 : i32
    return %c0_i32, %c0_i32_0 : i32, i32
  }
  func.func @transform_5(%arg0: i32) -> (i32, i32) {
    %c0_i32 = arith.constant 0 : i32
    %c0_i32_0 = arith.constant 0 : i32
    %c0_i32_1 = arith.constant 0 : i32
    return %c0_i32, %c0_i32_0 : i32, i32
  }
  func.func @transform_6(%arg0: i32) -> (i32, i32) {
    %c0_i32 = arith.constant 0 : i32
    %c0_i32_0 = arith.constant 0 : i32
    %c0_i32_1 = arith.constant 0 : i32
    return %c0_i32, %c0_i32_0 : i32, i32
  }
  func.func @transform_7(%arg0: i32) -> (i32, i32) {
    %c0_i32 = arith.constant 0 : i32
    %c0_i32_0 = arith.constant 0 : i32
    %c0_i32_1 = arith.constant 0 : i32
    return %c0_i32, %c0_i32_0 : i32, i32
  }
  func.func @transform_8(%arg0: i32) -> (i32, i32) {
    %c0_i32 = arith.constant 0 : i32
    %c0_i32_0 = arith.constant 0 : i32
    %c0_i32_1 = arith.constant 0 : i32
    return %c0_i32, %c0_i32_0 : i32, i32
  }
  func.func @transform_9(%arg0: i32) -> (i32, i32) {
    %c0_i32 = arith.constant 0 : i32
    %c0_i32_0 = arith.constant 0 : i32
    return %arg0, %c0_i32 : i32, i32
  }
}

module attributes {stable_mosaic.version = 14 : i64} {
  func.func @_mlp_body(%arg0: i32, %arg1: memref<1000x128xf32, #tpu.memory_space<vmem>>, %arg2: memref<128x128xf32, #tpu.memory_space<vmem>>, %arg3: memref<1x128xf32, #tpu.memory_space<vmem>>, %arg4: memref<1000x128xf32, #tpu.memory_space<vmem>>) attributes {dimension_semantics = [#tpu.dimension_semantics<arbitrary>], iteration_bounds = array<i64: 50>, scalar_prefetch = 0 : i64, scratch_operands = 0 : i64, tpu.core_type = #tpu.core_type<tc>, window_params = [{transform_indices = @transform_0, window_bounds = array<i64: 1000, 128>}, {pipeline_mode = #tpu.pipeline_mode<synchronous>, transform_indices = @transform_1, window_bounds = array<i64: 128, 128>}, {pipeline_mode = #tpu.pipeline_mode<synchronous>, transform_indices = @transform_2, window_bounds = array<i64: 1, 128>}, {transform_indices = @transform_3, window_bounds = array<i64: 1000, 128>}]} {
    %get3A = arith.constant 0 : index
    %get3A_0 = arith.constant 0 : index
    %get3A_1 = vector.load %arg1[%get3A, %get3A_0] : memref<1000x128xf32, #tpu.memory_space<vmem>>, vector<1000x128xf32>
    %get3A_2 = arith.constant 0 : index
    %get3A_3 = arith.constant 0 : index
    %get3A_4 = vector.load %arg2[%get3A_2, %get3A_3] : memref<128x128xf32, #tpu.memory_space<vmem>>, vector<128x128xf32>
    %dot_general3A = arith.constant dense<0.000000e+00> : vector<1000x128xf32>
    %dot_general3A_5 = tpu.matmul %get3A_1, %get3A_4, %dot_general3A {dimension_numbers = #tpu.dot_dimension_numbers<[1], [1], [0], [0], [0, 0, 1, 0], [], []>, transpose_lhs_hint = false} : vector<1000x128xf32>, vector<128x128xf32>, vector<1000x128xf32> -> vector<1000x128xf32>
    %get3A_6 = arith.constant 0 : index
    %get3A_7 = arith.constant 0 : index
    %get3A_8 = vector.load %arg3[%get3A_6, %get3A_7] : memref<1x128xf32, #tpu.memory_space<vmem>>, vector<1x128xf32>
    %add3A = vector.broadcast %get3A_8 : vector<1x128xf32> to vector<1000x128xf32>
    %add3A_9 = arith.addf %dot_general3A_5, %add3A : vector<1000x128xf32>
    %max3A = arith.constant 0.000000e+00 : f32
    %max3A_10 = vector.broadcast %max3A : f32 to vector<1000x128xf32>
    %max3A_11 = arith.maximumf %add3A_9, %max3A_10 : vector<1000x128xf32>
    %swap3A = arith.constant 0 : index
    %swap3A_12 = arith.constant 0 : index
    %swap3A_13 = vector.load %arg4[%swap3A, %swap3A_12] : memref<1000x128xf32, #tpu.memory_space<vmem>>, vector<1000x128xf32>
    tpu.vector_store %arg4[%swap3A, %swap3A_12], %max3A_11 {strides = array<i32>} : memref<1000x128xf32, #tpu.memory_space<vmem>>, vector<1000x128xf32>,
    return
  }
  func.func @transform_0(%arg0: i32) -> (i32, i32) {
    %c0_i32 = arith.constant 0 : i32
    %c0_i32_0 = arith.constant 0 : i32
    return %arg0, %c0_i32 : i32, i32
  }
  func.func @transform_1(%arg0: i32) -> (i32, i32) {
    %c0_i32 = arith.constant 0 : i32
    %c0_i32_0 = arith.constant 0 : i32
    %c0_i32_1 = arith.constant 0 : i32
    return %c0_i32, %c0_i32_0 : i32, i32
  }
  func.func @transform_2(%arg0: i32) -> (i32, i32) {
    %c0_i32 = arith.constant 0 : i32
    %c0_i32_0 = arith.constant 0 : i32
    %c0_i32_1 = arith.constant 0 : i32
    return %c0_i32, %c0_i32_0 : i32, i32
  }
  func.func @transform_3(%arg0: i32) -> (i32, i32) {
    %c0_i32 = arith.constant 0 : i32
    %c0_i32_0 = arith.constant 0 : i32
    return %arg0, %c0_i32 : i32, i32
  }
}

module attributes {stable_mosaic.version = 14 : i64} {
  func.func @_stage2_body(%arg0: i32, %arg1: memref<1000x128xf32, #tpu.memory_space<vmem>>, %arg2: memref<1000x128xf32, #tpu.memory_space<vmem>>, %arg3: memref<256x128xf32, #tpu.memory_space<vmem>>, %arg4: memref<256x128xf32, #tpu.memory_space<vmem>>, %arg5: memref<1x256xf32, #tpu.memory_space<vmem>>, %arg6: memref<256x256xf32, #tpu.memory_space<vmem>>, %arg7: memref<1x256xf32, #tpu.memory_space<vmem>>, %arg8: memref<1000x256xf32, #tpu.memory_space<vmem>>) attributes {dimension_semantics = [#tpu.dimension_semantics<arbitrary>], iteration_bounds = array<i64: 500>, scalar_prefetch = 0 : i64, scratch_operands = 0 : i64, tpu.core_type = #tpu.core_type<tc>, window_params = [{transform_indices = @transform_0, window_bounds = array<i64: 1000, 128>}, {transform_indices = @transform_1, window_bounds = array<i64: 1000, 128>}, {pipeline_mode = #tpu.pipeline_mode<synchronous>, transform_indices = @transform_2, window_bounds = array<i64: 256, 128>}, {pipeline_mode = #tpu.pipeline_mode<synchronous>, transform_indices = @transform_3, window_bounds = array<i64: 256, 128>}, {pipeline_mode = #tpu.pipeline_mode<synchronous>, transform_indices = @transform_4, window_bounds = array<i64: 1, 256>}, {pipeline_mode = #tpu.pipeline_mode<synchronous>, transform_indices = @transform_5, window_bounds = array<i64: 256, 256>}, {pipeline_mode = #tpu.pipeline_mode<synchronous>, transform_indices = @transform_6, window_bounds = array<i64: 1, 256>}, {transform_indices = @transform_7, window_bounds = array<i64: 1000, 256>}]} {
    %get3A = arith.constant 0 : index
    %get3A_0 = arith.constant 0 : index
    %get3A_1 = vector.load %arg1[%get3A, %get3A_0] : memref<1000x128xf32, #tpu.memory_space<vmem>>, vector<1000x128xf32>
    %get3A_2 = arith.constant 0 : index
    %get3A_3 = arith.constant 0 : index
    %get3A_4 = vector.load %arg3[%get3A_2, %get3A_3] : memref<256x128xf32, #tpu.memory_space<vmem>>, vector<256x128xf32>
    %dot_general3A = arith.constant dense<0.000000e+00> : vector<1000x256xf32>
    %dot_general3A_5 = tpu.matmul %get3A_1, %get3A_4, %dot_general3A {dimension_numbers = #tpu.dot_dimension_numbers<[1], [1], [0], [0], [0, 0, 1, 0], [], []>, transpose_lhs_hint = false} : vector<1000x128xf32>, vector<256x128xf32>, vector<1000x256xf32> -> vector<1000x256xf32>
    %get3A_6 = arith.constant 0 : index
    %get3A_7 = arith.constant 0 : index
    %get3A_8 = vector.load %arg2[%get3A_6, %get3A_7] : memref<1000x128xf32, #tpu.memory_space<vmem>>, vector<1000x128xf32>
    %get3A_9 = arith.constant 0 : index
    %get3A_10 = arith.constant 0 : index
    %get3A_11 = vector.load %arg4[%get3A_9, %get3A_10] : memref<256x128xf32, #tpu.memory_space<vmem>>, vector<256x128xf32>
    %dot_general3A_12 = arith.constant dense<0.000000e+00> : vector<1000x256xf32>
    %dot_general3A_13 = tpu.matmul %get3A_8, %get3A_11, %dot_general3A_12 {dimension_numbers = #tpu.dot_dimension_numbers<[1], [1], [0], [0], [0, 0, 1, 0], [], []>, transpose_lhs_hint = false} : vector<1000x128xf32>, vector<256x128xf32>, vector<1000x256xf32> -> vector<1000x256xf32>
    %add3A = arith.addf %dot_general3A_5, %dot_general3A_13 : vector<1000x256xf32>
    %get3A_14 = arith.constant 0 : index
    %get3A_15 = arith.constant 0 : index
    %get3A_16 = vector.load %arg5[%get3A_14, %get3A_15] : memref<1x256xf32, #tpu.memory_space<vmem>>, vector<1x256xf32>
    %add3A_17 = vector.broadcast %get3A_16 : vector<1x256xf32> to vector<1000x256xf32>
    %add3A_18 = arith.addf %add3A, %add3A_17 : vector<1000x256xf32>
    %max3A = arith.constant 0.000000e+00 : f32
    %max3A_19 = vector.broadcast %max3A : f32 to vector<1000x256xf32>
    %max3A_20 = arith.maximumf %add3A_18, %max3A_19 : vector<1000x256xf32>
    %get3A_21 = arith.constant 0 : index
    %get3A_22 = arith.constant 0 : index
    %get3A_23 = vector.load %arg6[%get3A_21, %get3A_22] : memref<256x256xf32, #tpu.memory_space<vmem>>, vector<256x256xf32>
    %dot_general3A_24 = arith.constant dense<0.000000e+00> : vector<1000x256xf32>
    %dot_general3A_25 = tpu.matmul %max3A_20, %get3A_23, %dot_general3A_24 {dimension_numbers = #tpu.dot_dimension_numbers<[1], [1], [0], [0], [0, 0, 1, 0], [], []>, transpose_lhs_hint = false} : vector<1000x256xf32>, vector<256x256xf32>, vector<1000x256xf32> -> vector<1000x256xf32>
    %get3A_26 = arith.constant 0 : index
    %get3A_27 = arith.constant 0 : index
    %get3A_28 = vector.load %arg7[%get3A_26, %get3A_27] : memref<1x256xf32, #tpu.memory_space<vmem>>, vector<1x256xf32>
    %add3A_29 = vector.broadcast %get3A_28 : vector<1x256xf32> to vector<1000x256xf32>
    %add3A_30 = arith.addf %dot_general3A_25, %add3A_29 : vector<1000x256xf32>
    %max3A_31 = arith.constant 0.000000e+00 : f32
    %max3A_32 = vector.broadcast %max3A_31 : f32 to vector<1000x256xf32>
    %max3A_33 = arith.maximumf %add3A_30, %max3A_32 : vector<1000x256xf32>
    %swap3A = arith.constant 0 : index
    %swap3A_34 = arith.constant 0 : index
    %swap3A_35 = vector.load %arg8[%swap3A, %swap3A_34] : memref<1000x256xf32, #tpu.memory_space<vmem>>, vector<1000x256xf32>
    tpu.vector_store %arg8[%swap3A, %swap3A_34], %max3A_33 {strides = array<i32>} : memref<1000x256xf32, #tpu.memory_space<vmem>>, vector<1000x256xf32>,
    return
  }
  func.func @transform_0(%arg0: i32) -> (i32, i32) {
    %c0_i32 = arith.constant 0 : i32
    %c0_i32_0 = arith.constant 0 : i32
    return %arg0, %c0_i32 : i32, i32
  }
  func.func @transform_1(%arg0: i32) -> (i32, i32) {
    %c0_i32 = arith.constant 0 : i32
    %c0_i32_0 = arith.constant 0 : i32
    return %arg0, %c0_i32 : i32, i32
  }
  func.func @transform_2(%arg0: i32) -> (i32, i32) {
    %c0_i32 = arith.constant 0 : i32
    %c0_i32_0 = arith.constant 0 : i32
    %c0_i32_1 = arith.constant 0 : i32
    return %c0_i32, %c0_i32_0 : i32, i32
  }
  func.func @transform_3(%arg0: i32) -> (i32, i32) {
    %c0_i32 = arith.constant 0 : i32
    %c0_i32_0 = arith.constant 0 : i32
    %c0_i32_1 = arith.constant 0 : i32
    return %c0_i32, %c0_i32_0 : i32, i32
  }
  func.func @transform_4(%arg0: i32) -> (i32, i32) {
    %c0_i32 = arith.constant 0 : i32
    %c0_i32_0 = arith.constant 0 : i32
    %c0_i32_1 = arith.constant 0 : i32
    return %c0_i32, %c0_i32_0 : i32, i32
  }
  func.func @transform_5(%arg0: i32) -> (i32, i32) {
    %c0_i32 = arith.constant 0 : i32
    %c0_i32_0 = arith.constant 0 : i32
    %c0_i32_1 = arith.constant 0 : i32
    return %c0_i32, %c0_i32_0 : i32, i32
  }
  func.func @transform_6(%arg0: i32) -> (i32, i32) {
    %c0_i32 = arith.constant 0 : i32
    %c0_i32_0 = arith.constant 0 : i32
    %c0_i32_1 = arith.constant 0 : i32
    return %c0_i32, %c0_i32_0 : i32, i32
  }
  func.func @transform_7(%arg0: i32) -> (i32, i32) {
    %c0_i32 = arith.constant 0 : i32
    %c0_i32_0 = arith.constant 0 : i32
    return %arg0, %c0_i32 : i32, i32
  }
}

module attributes {stable_mosaic.version = 14 : i64} {
  func.func @_mlp_body(%arg0: i32, %arg1: memref<1000x256xf32, #tpu.memory_space<vmem>>, %arg2: memref<256x256xf32, #tpu.memory_space<vmem>>, %arg3: memref<1x256xf32, #tpu.memory_space<vmem>>, %arg4: memref<1000x256xf32, #tpu.memory_space<vmem>>) attributes {dimension_semantics = [#tpu.dimension_semantics<arbitrary>], iteration_bounds = array<i64: 50>, scalar_prefetch = 0 : i64, scratch_operands = 0 : i64, tpu.core_type = #tpu.core_type<tc>, window_params = [{transform_indices = @transform_0, window_bounds = array<i64: 1000, 256>}, {pipeline_mode = #tpu.pipeline_mode<synchronous>, transform_indices = @transform_1, window_bounds = array<i64: 256, 256>}, {pipeline_mode = #tpu.pipeline_mode<synchronous>, transform_indices = @transform_2, window_bounds = array<i64: 1, 256>}, {transform_indices = @transform_3, window_bounds = array<i64: 1000, 256>}]} {
    %get3A = arith.constant 0 : index
    %get3A_0 = arith.constant 0 : index
    %get3A_1 = vector.load %arg1[%get3A, %get3A_0] : memref<1000x256xf32, #tpu.memory_space<vmem>>, vector<1000x256xf32>
    %get3A_2 = arith.constant 0 : index
    %get3A_3 = arith.constant 0 : index
    %get3A_4 = vector.load %arg2[%get3A_2, %get3A_3] : memref<256x256xf32, #tpu.memory_space<vmem>>, vector<256x256xf32>
    %dot_general3A = arith.constant dense<0.000000e+00> : vector<1000x256xf32>
    %dot_general3A_5 = tpu.matmul %get3A_1, %get3A_4, %dot_general3A {dimension_numbers = #tpu.dot_dimension_numbers<[1], [1], [0], [0], [0, 0, 1, 0], [], []>, transpose_lhs_hint = false} : vector<1000x256xf32>, vector<256x256xf32>, vector<1000x256xf32> -> vector<1000x256xf32>
    %get3A_6 = arith.constant 0 : index
    %get3A_7 = arith.constant 0 : index
    %get3A_8 = vector.load %arg3[%get3A_6, %get3A_7] : memref<1x256xf32, #tpu.memory_space<vmem>>, vector<1x256xf32>
    %add3A = vector.broadcast %get3A_8 : vector<1x256xf32> to vector<1000x256xf32>
    %add3A_9 = arith.addf %dot_general3A_5, %add3A : vector<1000x256xf32>
    %max3A = arith.constant 0.000000e+00 : f32
    %max3A_10 = vector.broadcast %max3A : f32 to vector<1000x256xf32>
    %max3A_11 = arith.maximumf %add3A_9, %max3A_10 : vector<1000x256xf32>
    %swap3A = arith.constant 0 : index
    %swap3A_12 = arith.constant 0 : index
    %swap3A_13 = vector.load %arg4[%swap3A, %swap3A_12] : memref<1000x256xf32, #tpu.memory_space<vmem>>, vector<1000x256xf32>
    tpu.vector_store %arg4[%swap3A, %swap3A_12], %max3A_11 {strides = array<i32>} : memref<1000x256xf32, #tpu.memory_space<vmem>>, vector<1000x256xf32>,
    return
  }
  func.func @transform_0(%arg0: i32) -> (i32, i32) {
    %c0_i32 = arith.constant 0 : i32
    %c0_i32_0 = arith.constant 0 : i32
    return %arg0, %c0_i32 : i32, i32
  }
  func.func @transform_1(%arg0: i32) -> (i32, i32) {
    %c0_i32 = arith.constant 0 : i32
    %c0_i32_0 = arith.constant 0 : i32
    %c0_i32_1 = arith.constant 0 : i32
    return %c0_i32, %c0_i32_0 : i32, i32
  }
  func.func @transform_2(%arg0: i32) -> (i32, i32) {
    %c0_i32 = arith.constant 0 : i32
    %c0_i32_0 = arith.constant 0 : i32
    %c0_i32_1 = arith.constant 0 : i32
    return %c0_i32, %c0_i32_0 : i32, i32
  }
  func.func @transform_3(%arg0: i32) -> (i32, i32) {
    %c0_i32 = arith.constant 0 : i32
    %c0_i32_0 = arith.constant 0 : i32
    return %arg0, %c0_i32 : i32, i32
  }
}

</mosaic_0001>

<sc_bundles>
// kernel: scatter_offload_async_start.1
scs
__scs_entry_jumppad:
0x0: {  	(pc) =	sbr.rel $0x88, $3  }
0x1: {  	(tag) =	ssettag $0x0;
	lr =	simm.s32 $0x1  }
0x2: {  	[smem:$0x3F90] =	sst lr;
	_ =	strace $0xD0000000  }
0x3: {  	_ = 	snop  }
0x4: {  	_ = 	snop  }
0x5: {  	_ = 	snop  }
0x6: {  	_ = 	snop  }
0x7: {  	_ = 	snop  }
__scs_overlays_trampoline_lowered:
0x8: {  	[smem:$0x3F9F] =	sst s0  }
0x9: {  	[smem:$0x3FA0] =	sst s1  }
0xa: {  	[smem:$0x3FA1] =	sst s2  }
0xb: {  	[smem:$0x3FA2] =	sst s3  }
0xc: {  	[smem:$0x3FA3] =	sst s4  }
0xd: {  	[smem:$0x3FA4] =	sst s5  }
0xe: {  	[smem:$0x3FA5] =	sst s6  }
0xf: {  	[smem:$0x3FA6] =	sst s7  }
0x10: {  	[smem:$0x3FA7] =	sst s8  }
0x11: {  	[smem:$0x3FA8] =	sst s9;
	s0 =	simm.s32 @!p0 $0x0  }
0x12: {  	s1 =	sld [smem:$0x3F8E];
	s0 =	simm.s32 @p0 $0x1  }
0x13: {  	[smem:$0x3FA9] =	sst s0;
	s0 =	simm.s32 @!p1 $0x0  }
0x14: {  	s2 =	sld [smem:$0x3F8D];
	s0 =	simm.s32 @p1 $0x1  }
0x15: {  	[smem:$0x3FAA] =	sst s0;
	s0 =	simm.s32 @!p2 $0x0  }
0x16: {  	s3 =	sld [smem:$0x3FDB];
	s0 =	simm.s32 @p2 $0x1  }
0x17: {  	s4 =	simm.s32 $0x1BF5;
	[smem:$0x3FAC] =	sst s0  }
0x18: {  	s0 =	sld [smem:$0x3F8F];
	_ =	swait.ge [sflag:s4], $0x0  }
0x19: {  	s7 =	sld [smem:$0x3F90]  }
0x1a: {  	s8 =	sadd.s32 $0xFFFFE003, lr  }
0x1b: {  	s9 =	sadd.s32 $0xFFFFFEF7, lr;
	s5 =	simm.s32 $0xFFFFFFFF;
	p2 =	slt.u32 s8, $0xFFFFF086  }
0x1c: {  	p1 =	slt.u32 s9, $0xF7A;
	s5 =	simm.s32 @!p2 $0x0  }
0x1d: {  	s5 =	simm.s32 @p1 $0x1;
	p0 =	seq.s32 s7, s2  }
0x1e: {  	s7 =	smul.u32 @!p0 $0xF7A, s2;
	p2 =	seq.s32 @!p0 s5, $0x0  }
0x1f: {  	s9 =	smul.u32 $0xF7A, s1;
	s8 =	simm.s32 @!p0 $0x1BF5;
	p2 =	por !p2, p0  }
0x20: {  	[sflag:s8] =	ssyncset.s32 @!p0 $0xFFFFF086;
	s6 =	sadd.s32 @!p0 s3, s7;
	s7 =	simm.s32 @!p0 $0x108  }
0x21: {  	s3 =	sadd.s32 s3, s9;
	s6 =	sadd.s32 @!p0 $0x88, s6;
	s7 =	simm.s32 @p2 $0x1082  }
0x22: {  	[simem:s7], [sflag:s8] =	dma.local @!p0 [hbm:s6], $0xF7A  }
0x23: {  	s9 =	sor.u32 $0xD0000000, s2;
	s6 =	simm.s32 $0x108;
	_ =	swait.ge @!p0 [sflag:s8], $0x0  }
0x24: {  	s3 =	sadd.s32 $0x88, s3;
	s6 =	simm.s32 @!p1 $0x1082;
	[sflag:s4] =	ssyncset.s32 $0xFFFFF086  }
0x25: {  	[simem:s6], [sflag:s4] =	dma.local [hbm:s3], $0xF7A  }
0x26: {  	[smem:$0x3F90] =	sst s1;
	(tag) =	ssettag s2;
	_ =	strace s9  }
0x27: {  	s1 =	sld [smem:$0x3FA0]  }
0x28: {  	s2 =	sld [smem:$0x3FA1]  }
0x29: {  	s4 =	sld [smem:$0x3FA3]  }
0x2a: {  	p0 =	seq.s32 s5, $0x0;
	s5 =	sld [smem:$0x3FA4]  }
0x2b: {  	s6 =	sld [smem:$0x3FA5]  }
0x2c: {  	s7 =	sld [smem:$0x3FA6]  }
0x2d: {  	s3 =	simm.s32 $0x108;
	s8 =	sld [smem:$0x3FA7]  }
0x2e: {  	s3 =	simm.s32 @!p0 $0x1082;
	s9 =	sld [smem:$0x3FA8]  }
0x2f: {  	lr =	sadd.s32 s0, s3;
	s0 =	sld [smem:$0x3F9F]  }
0x30: {  	s3 =	sld [smem:$0x3FA2]  }
0x31: {  	[smem:$0x3FAB] =	sst s10  }
0x32: {  	s10 =	sld [smem:$0x3FA9];
	_ =	sdelay $0x3  }
0x33: {  	p0 =	seq.s32 s10, $0x1;
	s10 =	sld [smem:$0x3FAB];
	_ =	sdelay $0x3  }
0x34: {  	[smem:$0x3FAB] =	sst s10  }
0x35: {  	s10 =	sld [smem:$0x3FAA];
	_ =	sdelay $0x3  }
0x36: {  	p1 =	seq.s32 s10, $0x1;
	s10 =	sld [smem:$0x3FAB];
	_ =	sdelay $0x3  }
0x37: {  	[smem:$0x3FAB] =	sst s10  }
0x38: {  	s10 =	sld [smem:$0x3FAC]  }
0x39: {  	_ = 	snop;
	(pc) =	sbr.ind lr, $3  }
0x3a: {  	_ = 	snop  }
0x3b: {  	_ = 	snop  }
0x3c: {  	p2 =	seq.s32 s10, $0x1;
	s10 =	sld [smem:$0x3FAB]  }
0x3d: {  	_ =	shalt  }
0x3e: {  	_ =	shalt  }
0x3f: {  	_ =	shalt  }
0x40: {  	_ =	shalt  }
0x41: {  	_ =	shalt  }
0x42: {  	_ =	shalt  }
0x43: {  	_ =	shalt  }
0x44: {  	_ =	shalt  }
0x45: {  	_ =	shalt  }
0x46: {  	_ =	shalt  }
0x47: {  	_ =	shalt  }
0x48: {  	_ =	shalt  }
0x49: {  	_ =	shalt  }
0x4a: {  	_ =	shalt  }
0x4b: {  	_ =	shalt  }
0x4c: {  	_ =	shalt  }
0x4d: {  	_ =	shalt  }
0x4e: {  	_ =	shalt  }
0x4f: {  	_ =	shalt  }
0x50: {  	_ =	shalt  }
0x51: {  	_ =	shalt  }
0x52: {  	_ =	shalt  }
0x53: {  	_ =	shalt  }
0x54: {  	_ =	shalt  }
0x55: {  	_ =	shalt  }
0x56: {  	_ =	shalt  }
0x57: {  	_ =	shalt  }
0x58: {  	_ =	shalt  }
0x59: {  	_ =	shalt  }
0x5a: {  	_ =	shalt  }
0x5b: {  	_ =	shalt  }
0x5c: {  	_ =	shalt  }
0x5d: {  	_ =	shalt  }
0x5e: {  	_ =	shalt  }
0x5f: {  	_ =	shalt  }
0x60: {  	_ =	shalt  }
0x61: {  	_ =	shalt  }
0x62: {  	_ =	shalt  }
0x63: {  	_ =	shalt  }
0x64: {  	_ =	shalt  }
0x65: {  	_ =	shalt  }
0x66: {  	_ =	shalt  }
0x67: {  	_ =	shalt  }
0x68: {  	_ =	shalt  }
0x69: {  	_ =	shalt  }
0x6a: {  	_ =	shalt  }
0x6b: {  	_ =	shalt  }
0x6c: {  	_ =	shalt  }
0x6d: {  	_ =	shalt  }
0x6e: {  	_ =	shalt  }
0x6f: {  	_ =	shalt  }
0x70: {  	_ =	shalt  }
0x71: {  	_ =	shalt  }
0x72: {  	_ =	shalt  }
0x73: {  	_ =	shalt  }
0x74: {  	_ =	shalt  }
0x75: {  	_ =	shalt  }
0x76: {  	_ =	shalt  }
0x77: {  	_ =	shalt  }
0x78: {  	_ =	shalt  }
0x79: {  	_ =	shalt  }
0x7a: {  	_ =	shalt  }
0x7b: {  	_ =	shalt  }
0x7c: {  	_ =	shalt  }
0x7d: {  	_ =	shalt  }
0x7e: {  	_ =	shalt  }
0x7f: {  	_ =	shalt  }
0x80: {  	_ =	shalt  }
0x81: {  	_ =	shalt  }
0x82: {  	_ =	shalt  }
0x83: {  	_ =	shalt  }
0x84: {  	_ =	shalt  }
0x85: {  	_ =	shalt  }
0x86: {  	_ =	shalt  }
0x87: {  	_ =	shalt  }
.Lfunc_end0:
.L_simem_size_0:
called_computation.1_lowered:
.L_overlay_start_0:
0x88: {  	s2 =	sld [smem:$0x3FD9]  }
0x89: {  	s3 =	sld [smem:$0x3FFE];
	_ =	sdelay $0x1  }
0x8a: {  	s1 =	srdreg.scid  }
0x8b: {  	s0 =	sand.u32 $0x1, s1  }
0x8c: {  	s16 =	sshll.u32 s0, $0xA;
	s2 =	sadd.s32 s3, s2  }
0x8d: {  	s2 =	sadd.s32 s2, s16  }
0x8e: {  	[smem:$0x3FB7] =	sst s2  }
0x8f: {  	_ = 	snop  }
0x90: {  	s2 =	sld [smem:$0x3FD0];
	(tm) =	ssettm $0x1  }
0x91: {  	s17 =	sld [smem:$0x3FFB];
	_ =	sdelay $0x3  }
0x92: {  	_ =	strace s17  }
0x93: {  	s3 =	sld [smem:$0x3FFC];
	_ =	sdelay $0x3  }
0x94: {  	_ =	strace s3  }
0x95: {  	s3 =	sld [smem:$0x3FFD];
	_ =	sdelay $0x3  }
0x96: {  	_ =	strace s3  }
0x97: {  	_ =	strace $0x8FFFFFFF  }
0x98: {  	s18 =	sld [smem:$0x3FDB];
	_ =	sdelay $0x1  }
0x99: {  	s4 =	simm.s32 $_scs_section_size  }
0x9a: {  	s5 =	simm.s32 $_size__tile_overlayer_lowered;
	s6 =	simm.s32 $_tile_overlayer_lowered  }
0x9b: {  	s21 =	simm.s32 $0x1BFF;
	s20 =	sshll.u32 s6, $0x1;
	s3 =	sadd.s32 s4, s18  }
0x9c: {  	s7 =	simm.s32 $0x0;
	s19 =	sshll.u32 s5, $0x1;
	s5 =	sadd.s32 s20, s3  }
0x9d: {  	[timem:s7], [sflag:s21] =	dma.local [hbm:s5], s19  }
0x9e: {  	_ =	swait.ge [sflag:s21], s19  }
0x9f: {  	s4 =	ssub.s32 $0x0, s19;
	[sflag:s21] =	ssyncset.done $0x0  }
0xa0: {  	[sflag:s21] =	ssyncadd.s32 s4;
	_ =	sdelay $0x1  }
0xa1: {  	s22 =	simm.s32 $0x1B8B  }
0xa2: {  	_ =	swait.ge [sflag:s22], $0x1  }
0xa3: {  	[sflag:s22] =	ssyncset.done $0x0  }
0xa4: {  	s23 =	sld [smem:$0x3FFE];
	[sflag:s22] =	ssyncadd.s32 $0xFFFFFFFF  }
0xa5: {  	s25 =	simm.s32 $0x1B8E;
	s24 =	sld [smem:$0x0]  }
0xa6: {  	s26 =	simm.s32 $execute0_lowered;
	[smem:$0x3FD2] =	sst s25  }
0xa7: {  	s6 =	sshll.u32 s26, $0x1;
	_ =	strace $0x80000049;
	[dreg:$0x1] =	wrdreg $0xFFFFFFFF  }
0xa8: {  	s28 =	simm.s32 $_size_execute0_lowered;
	s3 =	sadd.s32 s3, s6;
	[dreg:$0x0] =	wrdreg $0x0  }
0xa9: {  	s6 =	sshll.u32 s28, $0x1;
	[dreg:$0x2] =	wrdreg s3  }
0xaa: {  	[dreg:$0x3] =	wrdreg s6  }
0xab: {  	[dreg:$0x4] =	wrdreg $0xC0  }
0xac: {  	_ =	task [dreg:s7], $0x5FFFF  }
0xad: {  	[dreg:$0x1] =	wrdreg $0xFFFFFFFF  }
0xae: {  	[dreg:$0x0] =	wrdreg $0x60  }
0xaf: {  	[dreg:$0x2] =	wrdreg s2  }
0xb0: {  	[dreg:$0x3] =	wrdreg s23  }
0xb1: {  	[dreg:$0x4] =	wrdreg s1  }
0xb2: {  	[dreg:$0x5] =	wrdreg s24  }
0xb3: {  	[dreg:$0x6] =	wrdreg $0x9  }
0xb4: {  	_ =	task.clear_ibuf [dreg:s7], $0x7FFFF;
	_ =	strace $0x90000049  }
0xb5: {  	s29 =	simm.s32 $0x9;
	_ =	strace $0x8000004B  }
0xb6: {  	_ =	swait.ge [sflag:s29], $0x1  }
0xb7: {  	[sflag:s29] =	ssyncadd.s32 $0xFFFFFFFF  }
0xb8: {  	_ =	strace $0x9000004B  }
0xb9: {  	_ =	sfence  }
0xba: {  	s30 =	sld [smem:$0x0];
	_ =	sdelay $0x2  }
0xbb: {  	s31 =	sshll.u32 s1, $0xD;
	s1 =	sshrl.u32 s1, $0x2  }
0xbc: {  	s3 =	sand.u32 $0x4000, s31;
	s1 =	sadd.s32 s1, s30  }
0xbd: {  	s0 =	sor.u32 s3, s0;
	s1 =	sshll.u32 s1, $0x11  }
0xbe: {  	s0 =	sor.u32 s1, s0  }
0xbf: {  	s0 =	sadd.s32 $0x8F2B, s0  }
0xc0: {  	[sflag:s0] =	ssyncadd.remote.s32 $0x1  }
0xc1: {  	_ =	sfence.sel $0xFFFF  }
0xc2: {  	[dreg:$0x0] =	wrdreg $0xFFFFFFFF;
	(pc) =	sbr.abs _section_cstart, $3  }
0xc3: {  	[dreg:$0x1] =	wrdreg $0xFFFFFFFF  }
0xc4: {  	_ =	task.clear_ibuf [dreg:s7], $0x2FFFF;
	_ =	strace $0x9FFFFFFF  }
0xc5: {  	(tm) =	ssettm $0x7FFFFFFF  }
tec
execute0_lowered:
.L_overlay_start_1:
0x0: {  	(tag) =	ssettag $0x1  }
0x1: {  	s1 =	rddreg [dreg:$0x0]  }
0x2: {  	s2 =	rddreg [dreg:$0x1]  }
0x3: {  	s3 =	rddreg [dreg:$0x2];
	_ =	strace $0x8000004A;
	s0 =	simm.s32 $0x1  }
0x4: {  	s5 =	simm.s32 $0x208;
	v0 =	vimm.s32 $0x0;
	[sflag:s0] =	ssyncpa.u1 $0x0  }
0x5: {  	[tilespmem:s5+$0x70] =	vst v0  }
0x6: {  	[tilespmem:s5+$0x60] =	vst v0  }
0x7: {  	[tilespmem:s5+$0x50] =	vst v0  }
0x8: {  	[tilespmem:s5+$0x40] =	vst v0  }
0x9: {  	[tilespmem:s5+$0x30] =	vst v0  }
0xa: {  	s0 =	sadd.s32 $0x2200, s2;
	s6 =	sadd.s32 $0x16E5800, s2;
	[tilespmem:s5+$0x20] =	vst v0  }
0xb: {  	s4 =	sadd.s32 $0x11800, s2;
	s10 =	sand.u32 $0x1, s3;
	s2 =	simm.s32 $0x40;
	[tilespmem:s5+$0x10] =	vst v0  }
.LBB2_1:
0xc: {  	s2 =	sadd.s32 $0x40, s2;
	[tilespmem:s5+$0x0] =	vst v0;
	s5 =	sadd.s32 $0x80, s5  }
0xd: {  	p0 =	slt.u32 s2, $0x3880;
	[tilespmem:s5+$0x70] =	vst v0  }
0xe: {  	[tilespmem:s5+$0x60] =	vst v0  }
.Ltmp0:
0xf: {  	[tilespmem:s5+$0x50] =	vst v0;
	(pc) =	sbr.rel @p0 .LBB2_1-.Ltmp0, $4  }
0x10: {  	[tilespmem:s5+$0x40] =	vst v0  }
0x11: {  	[tilespmem:s5+$0x30] =	vst v0  }
0x12: {  	[tilespmem:s5+$0x20] =	vst v0  }
0x13: {  	[tilespmem:s5+$0x10] =	vst v0  }
0x14: {  	s11 =	stileid.u32  }
0x15: {  	s2 =	smul.u32 $0x8B, s11  }
0x16: {  	s3 =	smin.u32 s11, $0x9  }
0x17: {  	s2 =	sadd.s32 s3, s2  }
0x18: {  	p0 =	slt.u32 s11, $0x9;
	s20 =	smul.u32 $0x70, s2;
	s2 =	simm.s32 $0x3D40  }
0x19: {  	s2 =	simm.s32 @!p0 $0x3CD0  }
0x1a: {  	s2 =	sadd.s32 s2, s20  }
0x1b: {  	s8 =	smin.u32 s2, $0x3D090  }
0x1c: {  	s26 =	simm.s32 $0x2;
	s2 =	ssub.s32 s8, s20  }
0x1d: {  	s9 =	simm.s32 $0x9;
	s29 =	simm.s32 $0xA;
	p0 =	sgt.s32 s2, $0x0  }
0x1e: {  	s30 =	simm.s32 $0xB;
	s31 =	smul.u32 $0x7A12, s10;
	s2 =	simm.s32 @!p0 $0x0  }
0x1f: {  	[dreg:$0x5] =	wrdreg s10;
	s12 =	simm.s32 $0x1;
	s25 =	smulhi.u32 $0x92492493, s2  }
0x20: {  	p1 =	por $0x0, $0x0;
	s18 =	simm.s32 $0x80;
	s19 =	simm.s32 $0x400  }
0x21: {  	s17 =	simm.s32 $0xC;
	s21 =	simm.s32 $0x0;
	s3 =	sshrl.u32 s25, $0x6  }
0x22: {  	[tilespmem:s5+$0x0] =	vst v0;
	v0 =	vimm.s32 $0xFFFFFFFF;
	s23 =	simm.s32 $0x0;
	[sflag:s26] =	ssyncpa.u1 $0x0;
	s28 =	smul.u32 $0x70, s3  }
.Ltmp1:
0x23: {  	s16 =	sshll.u32 s11, $0x9;
	[tilespmem:$0xE408] =	vst v0;
	[sflag:s9] =	ssyncpa.u1 $0x0;
	(pc) =	sbr.rel .LBB2_3-.Ltmp1, $4  }
0x24: {  	s14 =	sadd.s32 s31, s4;
	p0 =	sne.s32 s2, s28;
	s2 =	simm.s32 $0x1  }
0x25: {  	s15 =	sadd.s32 s31, s0;
	[sflag:s29] =	ssyncpa.u1 $0x0;
	s2 =	simm.s32 @!p0 $0x0  }
0x26: {  	s0 =	simm.s32 $0x0;
	[sflag:s30] =	ssyncpa.u1 $0x0;
	s13 =	sadd.s32 s2, s3  }
0x27: {  	v0 =	vlaneseq.u32;
	s22 =	smov.u32 s20;
	p0 =	por $0x1, $0x1;
	s11 =	sadd.s32 $0x1, s13  }
.LBB2_24:
0x28: {  	s0 =	sshrl.u32 s0, $0x2  }
.LBB2_26:
0x29: {  	_ =	swait.ge [sflag:s17], s0  }
0x2a: {  	s31 =	ssub.s32 $0x0, s0;
	v1 =	vmov s26;
	vm0 =	veq.s32 v0, $0x0;
	[sflag:s17] =	ssyncset.done $0x0  }
0x2b: {  	vm15 =	veq.s32 v0, $0x2;
	v1 =	vsel vm0, s4, v1;
	[sflag:s17] =	ssyncadd.s32 s31  }
0x2c: {  	v1 =	vsel vm15, s24, v1;
	[sflag:s17] =	ssyncpa.u1 $0x1  }
0x2d: {  	[tilespmem:$0xE408] =	vst v1  }
.LBB2_27:
0x2e: {  	s2 =	sadd.s32 $0x70, s22  }
0x2f: {  	s3 =	smov.u32 s20;
	p2 =	slt.s32 s2, s8  }
0x30: {  	s3 =	smov.u32 @p2 s2;
	p2 =	sne.s32 s23, s11  }
.Ltmp2:
0x31: {  	_ = 	snop;
	(pc) =	sbr.rel @!p2 .LBB2_28-.Ltmp2, $4  }
0x32: {  	_ = 	snop  }
0x33: {  	s0 =	smov.u32 s21  }
0x34: {  	s31 =	sadd.s32 $0x1, s23;
	s21 =	smov.u32 s22;
	p0 =	por !p0, !p0  }
0x35: {  	p1 =	por !p1, !p1;
	s23 =	smov.u32 s31;
	s22 =	smov.u32 s3  }
.LBB2_3:
0x36: {  	p2 =	sge.u32 s23, s13  }
0x37: {  	s2 =	smulhi.u32 @!p2 $0xAAAAAAAB, s23  }
0x38: {  	s3 =	smov.u32 s22;
	p3 =	sgt.s32 @!p2 s22, $0x3D020  }
0x39: {  	s4 =	sshra.s32 @!p2 s22, $0x1F;
	p3 =	por !p3, p2;
	s2 =	sshrl.u32 @!p2 s2, $0x1  }
0x3a: {  	s4 =	sand.u32 @!p2 s4, s22;
	s3 =	simm.s32 @p3 $0x3D020;
	s2 =	smul.u32 @!p2 $0x3, s2  }
0x3b: {  	s3 =	ssub.s32 @!p2 s3, s4  }
0x3c: {  	s3 =	sadd.s32 @!p2 $0xFFFC2FE0, s3;
	s2 =	ssub.s32 @!p2 s23, s2  }
0x3d: {  	s4 =	sshll.u32 @!p2 s3, $0x2;
	p3 =	sgt.s32 @!p2 s3, $0x6F;
	s2 =	smul.u32 @!p2 $0x1C0, s2  }
0x3e: {  	s5 =	sand.u32 @!p2 $0x7, s22;
	s3 =	ssub.s32 @!p2 $0x1C0, s4;
	p3 =	por !p3, p2  }
0x3f: {  	s4 =	sshrl.u32 @!p2 s22, $0x3;
	s3 =	sshrl.u32 @!p2 s3, $0x2;
	s2 =	sshrl.u32 @!p2 s2, $0x2  }
0x40: {  	s4 =	sadd.s32 @!p2 s4, s14;
	s3 =	simm.s32 @!p3 $0x0;
	s2 =	sadd.s32 @!p2 $0x10448, s2  }
0x41: {  	[tilespmem:s2], [sflag:$0xA] =	stream.linear.gather @!p2 [hbm4b:s4+s5], s3, $0x38;
	[tilespmem:$0x1E678] =	vst v63  }
0x42: {  	s2 =	sadd.s32 $0xFFFFFFFF, s23  }
0x43: {  	p2 =	sge.u32 s2, s13  }
0x44: {  	p3 =	sgt.s32 @!p2 s21, $0x3D020  }
0x45: {  	s3 =	smov.u32 s21;
	s4 =	sshra.s32 @!p2 s21, $0x1F;
	p3 =	por !p3, p2  }
0x46: {  	s4 =	sand.u32 @!p2 s4, s21;
	s3 =	simm.s32 @p3 $0x3D020  }
0x47: {  	s3 =	ssub.s32 @!p2 s3, s4  }
0x48: {  	s3 =	sadd.s32 @!p2 $0xFFFC2FE0, s3  }
0x49: {  	s4 =	sshll.u32 @!p2 s3, $0x2  }
0x4a: {  	p3 =	sgt.s32 @!p2 s3, $0x6F;
	s3 =	ssub.s32 @!p2 $0x1C0, s4  }
0x4b: {  	p3 =	por !p3, p2;
	s3 =	sshrl.u32 @!p2 s3, $0x2  }
0x4c: {  	s5 =	simm.s32 @!p2 $0xA;
	s4 =	sand.u32 @!p2 $0x1, s2;
	s3 =	simm.s32 @!p3 $0x0  }
0x4d: {  	s4 =	smul.u32 @!p2 $0x1C0, s4;
	_ =	swait.ge @!p2 [sflag:s5], s3  }
0x4e: {  	s9 =	ssub.s32 @!p2 $0x0, s3;
	[sflag:s5] =	ssyncset.done @!p2 $0x0  }
0x4f: {  	s4 =	sshrl.u32 @!p2 s4, $0x2;
	[sflag:s5] =	ssyncadd.s32 @!p2 s9;
	s5 =	sshrl.u32 @!p2 s21, $0x3  }
0x50: {  	s4 =	sadd.s32 @!p2 $0x10598, s4;
	s9 =	sand.u32 @!p2 $0x7, s21;
	s5 =	sadd.s32 @!p2 s5, s15  }
0x51: {  	[tilespmem:s4], [sflag:$0xB] =	stream.linear.gather @!p2 [hbm4b:s5+s9], s3, $0x38;
	[tilespmem:$0x1E678] =	vst v63  }
0x52: {  	s4 =	ssub.s32 @!p2 $0x3D090, s21  }
0x53: {  	p3 =	slt.s32 @!p2 s4, $0x1  }
0x54: {  	p3 =	por p2, p3  }
.Ltmp3:
0x55: {  	_ = 	snop;
	(pc) =	sbr.rel @p3 .LBB2_9-.Ltmp3, $1  }
0x56: {  	_ =	sdelay $0x3  }
0x57: {  	s3 =	smulhi.u32 $0xAAAAAAAB, s2;
	_ =	sdelay $0x1  }
0x58: {  	s3 =	sshrl.u32 s3, $0x1  }
0x59: {  	s3 =	smul.u32 $0x3, s3;
	_ =	sdelay $0x1  }
0x5a: {  	s30 =	ssub.s32 s2, s3  }
0x5b: {  	s5 =	simm.s32 $0x1;
	s2 =	smul.u32 $0x1C0, s30  }
.Ltmp4:
0x5c: {  	s5 =	simm.s32 @!p0 $0x0;
	(pc) =	sbr.rel .LBB2_6-.Ltmp4, $4  }
0x5d: {  	s31 =	smul.u32 $0x1C000, s5  }
0x5e: {  	p3 =	slt.s32 @!p2 s4, $0x70;
	s2 =	sshrl.u32 s2, $0x2  }
0x5f: {  	p2 =	por !p3, p2;
	s3 =	sshrl.u32 s31, $0x2;
	s9 =	sadd.s32 $0x10448, s2  }
0x60: {  	s4 =	simm.s32 @p2 $0x70;
	s5 =	sor.u32 $0x10678, s3;
	s2 =	simm.s32 $0x0;
	v1 =	vmov s9  }
.LBB2_5:
0x61: {  	p2 =	sge.s32 s2, s4  }
.Ltmp5:
0x62: {  	_ = 	snop;
	(pc) =	sbr.rel @p2 .LBB2_9-.Ltmp5, $2  }
0x63: {  	_ =	sdelay $0x2  }
0x64: {  	s5 =	sadd.s32 $0x1000, s5  }
.LBB2_6:
0x65: {  	p2 =	sle.s32 s4, s2  }
.Ltmp6:
0x66: {  	_ = 	snop;
	(pc) =	sbr.rel @p2 .LBB2_5-.Ltmp6, $2  }
0x67: {  	_ =	sdelay $0x2  }
0x68: {  	s24 =	smov.u32 s2;
	s2 =	sadd.s32 $0x10, s2  }
0x69: {  	s3 =	ssub.s32 s4, s24  }
0x6a: {  	p2 =	slt.s32 s3, $0x10  }
0x6b: {  	s3 =	simm.s32 @!p2 $0x10  }
0x6c: {  	v2 =	vmov s3  }
0x6d: {  	vm0 =	vgt.s32 v2, v0;
	_ =	sdelay $0x5  }
0x6e: {  	v2 =	vld.idx.msk [tilespmem:v1+s24+$0x0 ss:$0x1], vm0;
	_ =	sdelay $0x2  }
0x6f: {  	p2 =	slt.s32 s2, s4;
	s3 =	smov.u32 s4  }
0x70: {  	s9 =	smov.u32 s5;
	s25 =	simm.s32 $0x0;
	s3 =	smov.u32 @p2 s2  }
.LBB2_8:
0x71: {  	(v2sf) =	vpush v2, s25;
	_ =	sdelay $0xe  }
0x72: {  	s25 =	sadd.s32 $0x1, s25;
	s10 =	spop (v2sf)  }
0x73: {  	s31 =	sadd.s32 s25, s24;
	s26 =	sshll.u32 s10, $0x8;
	s10 =	sshll.u32 s10, $0x7  }
0x74: {  	p2 =	slt.s32 s31, s3;
	s26 =	sand.u32 $0xFFFFF800, s26;
	s10 =	sand.u32 $0x380, s10  }
.Ltmp7:
0x75: {  	s10 =	sor.u32 s10, s26;
	(pc) =	sbr.rel @p2 .LBB2_8-.Ltmp7, $4  }
0x76: {  	s10 =	sshrl.u32 s10, $0x3  }
0x77: {  	s10 =	sadd.s32 s6, s10  }
0x78: {  	[tilespmem:s9], [sflag:$0x9] =	stream.strided.gather [hbm4b:s10+s18], $0x100, s19, s18, $0x38;
	[tilespmem:$0x1E678] =	vst v63  }
0x79: {  	s9 =	sadd.s32 $0x100, s9  }
.Ltmp8:
0x7a: {  	_ = 	snop;
	(pc) =	sbr.rel .LBB2_5-.Ltmp8, $1  }
0x7b: {  	_ =	sdelay $0x3  }
.LBB2_9:
0x7c: {  	p2 =	slt.u32 s23, $0x2  }
.Ltmp9:
0x7d: {  	_ = 	snop;
	(pc) =	sbr.rel @p2 .LBB2_27-.Ltmp9, $1  }
0x7e: {  	_ =	sdelay $0x3  }
0x7f: {  	p2 =	sgt.s32 s0, $0x3D020  }
0x80: {  	s2 =	smov.u32 s0;
	s3 =	sshra.s32 s0, $0x1F;
	s4 =	ssub.s32 $0x3D090, s0  }
0x81: {  	s2 =	simm.s32 @!p2 $0x3D020;
	s3 =	sand.u32 s3, s0;
	p2 =	slt.s32 s4, $0x70  }
0x82: {  	s2 =	ssub.s32 s2, s3;
	s4 =	simm.s32 @!p2 $0x70  }
0x83: {  	s2 =	sadd.s32 $0xFFFC2FE0, s2;
	s24 =	sshll.u32 s4, $0x8  }
0x84: {  	s29 =	simm.s32 $0x9;
	s25 =	sshll.u32 s2, $0x2;
	s3 =	sand.u32 $0x3FFFFF00, s24  }
0x85: {  	p2 =	sgt.s32 s2, $0x6F;
	s26 =	ssub.s32 $0x1C0, s25;
	_ =	swait.ge [sflag:s29], s3  }
0x86: {  	s3 =	ssub.s32 $0x0, s3;
	[sflag:s29] =	ssyncset.done $0x0;
	s2 =	sshrl.u32 s26, $0x2  }
0x87: {  	s30 =	simm.s32 $0xB;
	[sflag:s29] =	ssyncadd.s32 s3;
	s2 =	simm.s32 @p2 $0x0  }
0x88: {  	_ =	swait.ge [sflag:s30], s2  }
0x89: {  	s2 =	ssub.s32 $0x0, s2;
	[sflag:s30] =	ssyncset.done $0x0  }
0x8a: {  	[sflag:s30] =	ssyncadd.s32 s2  }
0x8b: {  	v1 =	vld [tilespmem:$0xE408];
	_ =	sdelay $0x4  }
0x8c: {  	(v2sf) =	vpush v1, $0x0  }
0x8d: {  	(v2sf) =	vpush v1, $0x1  }
0x8e: {  	(v2sf) =	vpush v1, $0x2;
	_ =	sdelay $0x3  }
0x8f: {  	s2 =	sadd.s32 $0x70, s0  }
0x90: {  	s3 =	ssub.s32 $0x7A120, s0;
	p2 =	slt.s32 s8, s2  }
0x91: {  	s2 =	smov.u32 @p2 s8;
	p2 =	sgt.s32 s3, $0x0  }
0x92: {  	s0 =	ssub.s32 s2, s0;
	s3 =	simm.s32 @!p2 $0x0  }
0x93: {  	p2 =	slt.s32 s3, s0  }
0x94: {  	s0 =	smov.u32 @p2 s3  }
0x95: {  	s4 =	simm.s32 $0x1;
	p2 =	slt.s32 s0, $0x1  }
.Ltmp10:
0x96: {  	s4 =	simm.s32 @!p1 $0x0;
	(pc) =	sbr.rel @p2 .LBB2_14-.Ltmp10, $4  }
0x97: {  	s31 =	smul.u32 $0x1C0, s4  }
0x98: {  	s5 =	spop (v2sf)  }
0x99: {  	s2 =	sshrl.u32 s31, $0x2;
	s28 =	spop (v2sf)  }
0x9a: {  	s25 =	sadd.s32 $0x10598, s2;
	s24 =	spop (v2sf)  }
0x9b: {  	s2 =	smin.u32 s0, $0x10  }
0x9c: {  	v1 =	vmov s2  }
0x9d: {  	vm1 =	vgt.u32 v1, v0  }
0x9e: {  	p3 =	sgt.s32 s0, $0x10  }
.Ltmp11:
0x9f: {  	_ = 	snop;
	(pc) =	sbr.rel @!p3 .LBB2_13-.Ltmp11, $2  }
0xa0: {  	_ =	sdelay $0x2  }
0xa1: {  	s26 =	simm.s32 $0x10;
	s29 =	sadd.s32 $0xFFFFFFF0, s0;
	s2 =	smov.u32 s25;
	vm0 =	vmmov vm1;
	v1 =	vld.msk [tilespmem:s25+$0x0 ss:$0x1], vm1  }
.LBB2_12:
0xa2: {  	s3 =	smin.u32 s29, $0x10;
	s26 =	sadd.s32 $0x10, s26  }
0xa3: {  	v2 =	vmov s3;
	p3 =	slt.s32 s26, s0  }
0xa4: {  	vm1 =	vgt.u32 v2, v0;
	_ =	sdelay $0x1  }
0xa5: {  	v2 =	vshll.u32 v1, $0x5;
	v1 =	vshll.u32 v1, $0x4  }
.Ltmp12:
0xa6: {  	v2 =	vand.u32 $0xFFFFFF00, v2;
	v1 =	vand.u32 $0x70, v1;
	(pc) =	sbr.rel @p3 .LBB2_12-.Ltmp12, $4  }
0xa7: {  	v1 =	vor.u32 v1, v2  }
0xa8: {  	[tilespmem:s2+$0x0] =	vst.msk vm0, v1;
	s2 =	sadd.s32 $0x10, s2;
	vm0 =	vmmov vm1  }
0xa9: {  	v1 =	vld.msk [tilespmem:s2+$0x0 ss:$0x1], vm1  }
0xaa: {  	s29 =	sadd.s32 $0xFFFFFFF0, s29  }
.LBB2_13:
0xab: {  	_ =	sdelay $0x3  }
0xac: {  	v2 =	vshll.u32 v1, $0x5;
	v1 =	vshll.u32 v1, $0x4  }
0xad: {  	v2 =	vand.u32 $0xFFFFFF00, v2;
	v1 =	vand.u32 $0x70, v1  }
0xae: {  	v1 =	vor.u32 v1, v2  }
0xaf: {  	[tilespmem:s2+$0x0] =	vst.msk vm0, v1  }
.LBB2_14:
0xb0: {  	s2 =	sand.u32 $0x1, s23  }
0xb1: {  	s3 =	smul.u32 $0x7000, s2  }
0xb2: {  	p3 =	sne.s32 s28, $0xFFFFFFFF  }
0xb3: {  	v1 =	vld @!p3 [tilespmem:s3+$0x10678];
	_ =	sdelay $0x2  }
0xb4: {  	s2 =	smul.u32 $0x70, s2;
	_ =	sdelay $0x1  }
0xb5: {  	v2 =	vld.msk @!p3 [tilespmem:s2+$0x10598], $0x1;
	[tilespmem:$0x208] =	vst @!p3 v1  }
0xb6: {  	v1 =	vld @!p3 [tilespmem:s3+$0x10688];
	_ =	sdelay $0x4  }
0xb7: {  	[tilespmem:$0x218] =	vst @!p3 v1  }
0xb8: {  	v1 =	vld @!p3 [tilespmem:s3+$0x10698];
	_ =	sdelay $0x4  }
0xb9: {  	[tilespmem:$0x228] =	vst @!p3 v1  }
0xba: {  	v1 =	vld @!p3 [tilespmem:s3+$0x106A8];
	_ =	sdelay $0x4  }
0xbb: {  	[tilespmem:$0x238] =	vst @!p3 v1  }
0xbc: {  	v1 =	vld @!p3 [tilespmem:s3+$0x106B8];
	_ =	sdelay $0x4  }
0xbd: {  	[tilespmem:$0x248] =	vst @!p3 v1  }
0xbe: {  	v1 =	vld @!p3 [tilespmem:s3+$0x106C8];
	_ =	sdelay $0x4  }
0xbf: {  	[tilespmem:$0x258] =	vst @!p3 v1  }
0xc0: {  	v1 =	vld @!p3 [tilespmem:s3+$0x106D8];
	_ =	sdelay $0x4  }
0xc1: {  	[tilespmem:$0x268] =	vst @!p3 v1  }
0xc2: {  	v1 =	vld @!p3 [tilespmem:s3+$0x106E8];
	_ =	sdelay $0x4  }
0xc3: {  	[tilespmem:$0x278] =	vst @!p3 v1  }
0xc4: {  	v1 =	vld @!p3 [tilespmem:s3+$0x106F8];
	_ =	sdelay $0x4  }
0xc5: {  	[tilespmem:$0x288] =	vst @!p3 v1  }
0xc6: {  	v1 =	vld @!p3 [tilespmem:s3+$0x10708];
	_ =	sdelay $0x4  }
0xc7: {  	[tilespmem:$0x298] =	vst @!p3 v1  }
0xc8: {  	v1 =	vld @!p3 [tilespmem:s3+$0x10718];
	_ =	sdelay $0x4  }
0xc9: {  	[tilespmem:$0x2A8] =	vst @!p3 v1  }
0xca: {  	v1 =	vld @!p3 [tilespmem:s3+$0x10728];
	_ =	sdelay $0x4  }
0xcb: {  	[tilespmem:$0x2B8] =	vst @!p3 v1  }
0xcc: {  	v1 =	vld @!p3 [tilespmem:s3+$0x10738];
	_ =	sdelay $0x4  }
0xcd: {  	[tilespmem:$0x2C8] =	vst @!p3 v1  }
0xce: {  	(v2sf) =	vpush @!p3 v2, $0x0;
	v1 =	vld @!p3 [tilespmem:s3+$0x10748];
	_ =	sdelay $0x4  }
0xcf: {  	[tilespmem:$0x2D8] =	vst @!p3 v1  }
0xd0: {  	v1 =	vld @!p3 [tilespmem:s3+$0x10758];
	_ =	sdelay $0x4  }
0xd1: {  	[tilespmem:$0x2E8] =	vst @!p3 v1  }
0xd2: {  	v1 =	vld @!p3 [tilespmem:s3+$0x10768]  }
.Ltmp13:
0xd3: {  	_ = 	snop;
	(pc) =	sbr.rel @p2 .LBB2_25-.Ltmp13, $4  }
0xd4: {  	_ = 	snop  }
0xd5: {  	s31 =	spop @!p3 (v2sf)  }
0xd6: {  	s24 =	simm.s32 @!p3 $0x0;
	s26 =	smov.u32 s31  }
0xd7: {  	s31 =	smov.u32 @p3 s5;
	s26 =	smov.u32 @p3 s28;
	[tilespmem:$0x2F8] =	vst @!p3 v1;
	[sflag:s17] =	ssyncpa.u1 $0x0  }
0xd8: {  	v1 =	vld.msk [tilespmem:s25+$0x0], $0x1;
	_ =	sdelay $0x4  }
0xd9: {  	(v2sf) =	vpush v1, $0x0;
	_ =	sdelay $0xe  }
0xda: {  	s7 =	smov.u32 s11;
	s5 =	spop (v2sf)  }
0xdb: {  	s17 =	smov.u32 s15;
	s2 =	smul.u32 $0x1C000, s4;
	p2 =	seq.s32 s31, s5  }
0xdc: {  	s3 =	smov.u32 s31;
	s29 =	ssub.s32 $0x0, s0;
	p3 =	sgt.s32 @!p2 s31, $0x0  }
0xdd: {  	s30 =	simm.s32 $0x0;
	s2 =	sshrl.u32 s2, $0x2;
	p3 =	por !p3, p2  }
0xde: {  	s0 =	sadd.s32 $0x1, s29;
	s28 =	sor.u32 $0x106F8, s2;
	s3 =	simm.s32 @p3 $0x0  }
0xdf: {  	s2 =	simm.s32 @!p2 $0x1;
	p3 =	seq.s32 s0, $0x0;
	s3 =	smin.u32 @!p2 s3, $0x186970  }
.Ltmp14:
0xe0: {  	s4 =	simm.s32 @!p2 $0x7308;
	s9 =	sand.u32 @!p2 $0x1FFFF8, s3;
	(pc) =	sbr.rel @p3 .LBB2_17-.Ltmp14, $4  }
0xe1: {  	s10 =	sadd.s32 @!p2 $0x80, s3;
	s11 =	sadd.s32 @!p2 s1, s9;
	s9 =	sand.u32 @!p2 $0x7, s3  }
0xe2: {  	[tilespmem:s4], [sflag:$0x2] =	stream.linear.gather @!p2 [hbm4b:s11+s9], $0x80, $0x38;
	[tilespmem:$0x1E678] =	vst v63  }
0xe3: {  	s15 =	smov.u32 s14;
	s2 =	smov.u32 @p2 s30;
	s4 =	sand.u32 @!p2 $0x3FFFF8, s10  }
0xe4: {  	s3 =	simm.s32 @!p2 $0x7388;
	s10 =	sadd.s32 @!p2 s1, s4;
	s4 =	sadd.s32 $0x1, s25  }
.LBB2_16:
0xe5: {  	s11 =	smov.u32 s2  }
0xe6: {  	[tilespmem:s3], [sflag:$0x2] =	stream.linear.gather @!p2 [hbm4b:s10+s9], $0x80, $0x38;
	[tilespmem:$0x1E678] =	vst v63  }
0xe7: {  	s0 =	sadd.s32 $0x1, s0;
	s9 =	smov.u32 s5;
	v1 =	vld.msk [tilespmem:s4+$0x0], $0x1  }
0xe8: {  	p3 =	seq.s32 s0, $0x0;
	_ =	sdelay $0x3  }
0xe9: {  	(v2sf) =	vpush v1, $0x0;
	_ =	sdelay $0xe  }
0xea: {  	s5 =	spop (v2sf)  }
0xeb: {  	p2 =	seq.s32 s9, s5  }
0xec: {  	p4 =	sgt.s32 @!p2 s9, $0x0;
	s3 =	sshll.u32 @!p2 s2, $0xA;
	s2 =	sadd.s32 @!p2 $0x1, s2  }
0xed: {  	p4 =	por !p4, p2;
	s3 =	sshra.s32 @!p2 s3, $0x2;
	s2 =	smov.u32 @p2 s11  }
0xee: {  	s9 =	simm.s32 @p4 $0x0;
	s10 =	sadd.s32 @!p2 $0x7308, s3;
	s3 =	sadd.s32 @!p2 $0x7388, s3  }
.Ltmp15:
0xef: {  	s9 =	smin.u32 @!p2 s9, $0x186970;
	(pc) =	sbr.rel @!p3 .LBB2_16-.Ltmp15, $4  }
0xf0: {  	s11 =	sand.u32 @!p2 $0x1FFFF8, s9;
	s14 =	sadd.s32 @!p2 $0x80, s9  }
0xf1: {  	s9 =	sand.u32 @!p2 $0x7, s9;
	s11 =	sadd.s32 @!p2 s1, s11;
	s14 =	sand.u32 @!p2 $0x3FFFF8, s14  }
0xf2: {  	[tilespmem:s10], [sflag:$0x2] =	stream.linear.gather @!p2 [hbm4b:s11+s9], $0x80, $0x38;
	[tilespmem:$0x1E678] =	vst v63  }
0xf3: {  	s4 =	sadd.s32 $0x1, s4;
	s10 =	sadd.s32 @!p2 s1, s14  }
.LBB2_17:
0xf4: {  	[tilespmem:s3], [sflag:$0x2] =	stream.linear.gather @!p2 [hbm4b:s10+s9], $0x80, $0x38;
	[tilespmem:$0x1E678] =	vst v63  }
0xf5: {  	s0 =	sshll.u32 s2, $0x8  }
.Ltmp16:
0xf6: {  	s14 =	simm.s32 $0x2;
	s0 =	sand.u32 $0x3FFFFF00, s0;
	(pc) =	sbr.rel .LBB2_18-.Ltmp16, $4  }
0xf7: {  	_ =	swait.ge [sflag:s14], s0  }
0xf8: {  	s0 =	ssub.s32 $0x0, s0;
	[sflag:s14] =	ssyncset.done $0x0  }
0xf9: {  	s11 =	smov.u32 s7;
	[sflag:s14] =	ssyncadd.s32 s0;
	s0 =	simm.s32 $0x0  }
0xfa: {  	s14 =	smov.u32 s15;
	s15 =	smov.u32 s17;
	s17 =	simm.s32 $0xC  }
.LBB2_19:
0xfb: {  	v1 =	vld [tilespmem:s28+$0xFFFFFF80]  }
0xfc: {  	v2 =	vld [tilespmem:s5+$0x208];
	_ =	sdelay $0x4  }
0xfd: {  	v1 =	vmax.f32 v1, v2  }
0xfe: {  	v2 =	vld [tilespmem:s5+$0x218];
	[tilespmem:s5+$0x208] =	vst v1  }
0xff: {  	v1 =	vld [tilespmem:s28+$0xFFFFFF90];
	_ =	sdelay $0x4  }
0x100: {  	v1 =	vmax.f32 v1, v2  }
0x101: {  	v2 =	vld [tilespmem:s5+$0x228];
	[tilespmem:s5+$0x218] =	vst v1  }
0x102: {  	v1 =	vld [tilespmem:s28+$0xFFFFFFA0];
	_ =	sdelay $0x4  }
0x103: {  	v1 =	vmax.f32 v1, v2  }
0x104: {  	v2 =	vld [tilespmem:s5+$0x238];
	[tilespmem:s5+$0x228] =	vst v1  }
0x105: {  	v1 =	vld [tilespmem:s28+$0xFFFFFFB0];
	_ =	sdelay $0x4  }
0x106: {  	v1 =	vmax.f32 v1, v2  }
0x107: {  	v2 =	vld [tilespmem:s5+$0x248];
	[tilespmem:s5+$0x238] =	vst v1  }
0x108: {  	v1 =	vld [tilespmem:s28+$0xFFFFFFC0];
	_ =	sdelay $0x4  }
0x109: {  	v1 =	vmax.f32 v1, v2  }
0x10a: {  	v2 =	vld [tilespmem:s5+$0x258];
	[tilespmem:s5+$0x248] =	vst v1  }
0x10b: {  	v1 =	vld [tilespmem:s28+$0xFFFFFFD0];
	_ =	sdelay $0x4  }
0x10c: {  	v1 =	vmax.f32 v1, v2  }
0x10d: {  	v2 =	vld [tilespmem:s5+$0x268];
	[tilespmem:s5+$0x258] =	vst v1  }
0x10e: {  	v1 =	vld [tilespmem:s28+$0xFFFFFFE0];
	_ =	sdelay $0x4  }
0x10f: {  	v1 =	vmax.f32 v1, v2  }
0x110: {  	v2 =	vld [tilespmem:s5+$0x278];
	[tilespmem:s5+$0x268] =	vst v1  }
0x111: {  	v1 =	vld [tilespmem:s28+$0xFFFFFFF0];
	_ =	sdelay $0x4  }
0x112: {  	v1 =	vmax.f32 v1, v2  }
0x113: {  	v2 =	vld [tilespmem:s5+$0x288];
	[tilespmem:s5+$0x278] =	vst v1  }
0x114: {  	v1 =	vld [tilespmem:s28+$0x0];
	_ =	sdelay $0x4  }
0x115: {  	v1 =	vmax.f32 v1, v2  }
0x116: {  	v2 =	vld [tilespmem:s5+$0x298];
	[tilespmem:s5+$0x288] =	vst v1  }
0x117: {  	v1 =	vld [tilespmem:s28+$0x10];
	_ =	sdelay $0x4  }
0x118: {  	v1 =	vmax.f32 v1, v2  }
0x119: {  	v2 =	vld [tilespmem:s5+$0x2A8];
	[tilespmem:s5+$0x298] =	vst v1  }
0x11a: {  	v1 =	vld [tilespmem:s28+$0x20];
	_ =	sdelay $0x4  }
0x11b: {  	v1 =	vmax.f32 v1, v2  }
0x11c: {  	v2 =	vld [tilespmem:s5+$0x2B8];
	[tilespmem:s5+$0x2A8] =	vst v1  }
0x11d: {  	v1 =	vld [tilespmem:s28+$0x30];
	_ =	sdelay $0x4  }
0x11e: {  	v1 =	vmax.f32 v1, v2  }
0x11f: {  	v2 =	vld [tilespmem:s5+$0x2C8];
	[tilespmem:s5+$0x2B8] =	vst v1  }
0x120: {  	v1 =	vld [tilespmem:s28+$0x40];
	_ =	sdelay $0x4  }
0x121: {  	v1 =	vmax.f32 v1, v2  }
0x122: {  	v2 =	vld [tilespmem:s5+$0x2D8];
	[tilespmem:s5+$0x2C8] =	vst v1  }
0x123: {  	v1 =	vld [tilespmem:s28+$0x50];
	_ =	sdelay $0x4  }
0x124: {  	v1 =	vmax.f32 v1, v2  }
0x125: {  	v2 =	vld [tilespmem:s5+$0x2E8];
	[tilespmem:s5+$0x2D8] =	vst v1  }
0x126: {  	v1 =	vld [tilespmem:s28+$0x60];
	_ =	sdelay $0x4  }
0x127: {  	v1 =	vmax.f32 v1, v2  }
0x128: {  	v2 =	vld [tilespmem:s5+$0x2F8];
	[tilespmem:s5+$0x2E8] =	vst v1  }
0x129: {  	v1 =	vld [tilespmem:s28+$0x70];
	_ =	sdelay $0x4  }
0x12a: {  	v1 =	vmax.f32 v1, v2  }
0x12b: {  	[tilespmem:s5+$0x2F8] =	vst v1  }
.LBB2_23:
0x12c: {  	s29 =	sadd.s32 $0x1, s29  }
0x12d: {  	p2 =	seq.s32 s29, $0x0  }
.Ltmp17:
0x12e: {  	_ = 	snop;
	(pc) =	sbr.rel @p2 .LBB2_24-.Ltmp17, $2  }
0x12f: {  	_ =	sdelay $0x2  }
0x130: {  	s25 =	sadd.s32 $0x1, s25;
	s28 =	sadd.s32 $0x100, s28;
	s31 =	smov.u32 s4  }
.LBB2_18:
0x131: {  	v1 =	vld.msk [tilespmem:s25+$0x0], $0x1;
	_ =	sdelay $0x4  }
0x132: {  	(v2sf) =	vpush v1, $0x0;
	_ =	sdelay $0xe  }
0x133: {  	s4 =	spop (v2sf)  }
0x134: {  	p2 =	sne.s32 s31, s4  }
.Ltmp18:
0x135: {  	_ = 	snop;
	(pc) =	sbr.rel @!p2 .LBB2_19-.Ltmp18, $3  }
0x136: {  	_ =	sdelay $0x1  }
0x137: {  	s2 =	sshll.u32 s24, $0xA  }
0x138: {  	s5 =	sshra.s32 s2, $0x2  }
0x139: {  	p2 =	seq.s32 s31, s26  }
.Ltmp19:
0x13a: {  	_ = 	snop;
	(pc) =	sbr.rel @!p2 .LBB2_21-.Ltmp19, $1  }
0x13b: {  	_ =	sdelay $0x3  }
.Ltmp20:
0x13c: {  	s2 =	sadd.s32 $0x208, s5;
	(pc) =	sbr.rel .LBB2_22-.Ltmp20, $4  }
0x13d: {  	[spmem:s16] =	stream.linear.scatter [tilespmem:s2], [sflag:$0x1], $0x100, $0x38;
	[tilespmem:$0x1E678] =	vst v63  }
0x13e: {  	_ =	swait.ge [sflag:s12], $0x100  }
0x13f: {  	[sflag:s12] =	ssyncset.done $0x0  }
0x140: {  	[sflag:s12] =	ssyncadd.s32 $0xFFFFFF00  }
.LBB2_21:
0x141: {  	s2 =	sshll.u32 s30, $0xA  }
0x142: {  	v2 =	vld [tilespmem:s5+$0x208];
	s2 =	sshra.s32 s2, $0x2  }
0x143: {  	v1 =	vld [tilespmem:s2+$0x7308];
	_ =	sdelay $0x4  }
0x144: {  	v1 =	vmax.f32 v1, v2  }
0x145: {  	v2 =	vld [tilespmem:s5+$0x218];
	[tilespmem:s5+$0x208] =	vst v1  }
0x146: {  	v1 =	vld [tilespmem:s2+$0x7318];
	_ =	sdelay $0x4  }
0x147: {  	v1 =	vmax.f32 v1, v2  }
0x148: {  	v2 =	vld [tilespmem:s5+$0x228];
	[tilespmem:s5+$0x218] =	vst v1  }
0x149: {  	v1 =	vld [tilespmem:s2+$0x7328];
	_ =	sdelay $0x4  }
0x14a: {  	v1 =	vmax.f32 v1, v2  }
0x14b: {  	v2 =	vld [tilespmem:s5+$0x238];
	[tilespmem:s5+$0x228] =	vst v1  }
0x14c: {  	v1 =	vld [tilespmem:s2+$0x7338];
	_ =	sdelay $0x4  }
0x14d: {  	v1 =	vmax.f32 v1, v2  }
0x14e: {  	v2 =	vld [tilespmem:s5+$0x248];
	[tilespmem:s5+$0x238] =	vst v1  }
0x14f: {  	v1 =	vld [tilespmem:s2+$0x7348];
	_ =	sdelay $0x4  }
0x150: {  	v1 =	vmax.f32 v1, v2  }
0x151: {  	v2 =	vld [tilespmem:s5+$0x258];
	[tilespmem:s5+$0x248] =	vst v1  }
0x152: {  	v1 =	vld [tilespmem:s2+$0x7358];
	_ =	sdelay $0x4  }
0x153: {  	v1 =	vmax.f32 v1, v2  }
0x154: {  	v2 =	vld [tilespmem:s5+$0x268];
	[tilespmem:s5+$0x258] =	vst v1  }
0x155: {  	v1 =	vld [tilespmem:s2+$0x7368];
	_ =	sdelay $0x4  }
0x156: {  	v1 =	vmax.f32 v1, v2  }
0x157: {  	v2 =	vld [tilespmem:s5+$0x278];
	[tilespmem:s5+$0x268] =	vst v1  }
0x158: {  	v1 =	vld [tilespmem:s2+$0x7378];
	_ =	sdelay $0x4  }
0x159: {  	v1 =	vmax.f32 v1, v2  }
0x15a: {  	v2 =	vld [tilespmem:s5+$0x288];
	[tilespmem:s5+$0x278] =	vst v1  }
0x15b: {  	v1 =	vld [tilespmem:s2+$0x7388];
	_ =	sdelay $0x4  }
0x15c: {  	v1 =	vmax.f32 v1, v2  }
0x15d: {  	v2 =	vld [tilespmem:s5+$0x298];
	[tilespmem:s5+$0x288] =	vst v1  }
0x15e: {  	v1 =	vld [tilespmem:s2+$0x7398];
	_ =	sdelay $0x4  }
0x15f: {  	v1 =	vmax.f32 v1, v2  }
0x160: {  	v2 =	vld [tilespmem:s5+$0x2A8];
	[tilespmem:s5+$0x298] =	vst v1  }
0x161: {  	v1 =	vld [tilespmem:s2+$0x73A8];
	_ =	sdelay $0x4  }
0x162: {  	v1 =	vmax.f32 v1, v2  }
0x163: {  	v2 =	vld [tilespmem:s5+$0x2B8];
	[tilespmem:s5+$0x2A8] =	vst v1  }
0x164: {  	v1 =	vld [tilespmem:s2+$0x73B8];
	_ =	sdelay $0x4  }
0x165: {  	v1 =	vmax.f32 v1, v2  }
0x166: {  	v2 =	vld [tilespmem:s5+$0x2C8];
	[tilespmem:s5+$0x2B8] =	vst v1  }
0x167: {  	v1 =	vld [tilespmem:s2+$0x73C8];
	_ =	sdelay $0x4  }
0x168: {  	v1 =	vmax.f32 v1, v2  }
0x169: {  	v2 =	vld [tilespmem:s5+$0x2D8];
	[tilespmem:s5+$0x2C8] =	vst v1  }
0x16a: {  	v1 =	vld [tilespmem:s2+$0x73D8];
	_ =	sdelay $0x4  }
0x16b: {  	v1 =	vmax.f32 v1, v2  }
0x16c: {  	v2 =	vld [tilespmem:s5+$0x2E8];
	[tilespmem:s5+$0x2D8] =	vst v1  }
0x16d: {  	v1 =	vld [tilespmem:s2+$0x73E8];
	_ =	sdelay $0x4  }
0x16e: {  	v1 =	vmax.f32 v1, v2  }
0x16f: {  	v2 =	vld [tilespmem:s5+$0x2F8];
	[tilespmem:s5+$0x2E8] =	vst v1  }
0x170: {  	v1 =	vld [tilespmem:s2+$0x73F8];
	_ =	sdelay $0x3  }
0x171: {  	p2 =	sgt.u32 s31, $0x186970  }
0x172: {  	s2 =	sand.u32 @!p2 $0x1FFFF8, s31;
	v1 =	vmax.f32 v1, v2  }
0x173: {  	s3 =	sadd.s32 $0x208, s5;
	s9 =	sand.u32 @!p2 $0x7, s31;
	s2 =	sadd.s32 @!p2 s1, s2;
	[tilespmem:s5+$0x2F8] =	vst v1  }
0x174: {  	[hbm4b:s2+s9] =	stream.linear.scatter @!p2 [tilespmem:s3], [sflag:$0xC], $0x80, $0x38;
	[tilespmem:$0x1E678] =	vst v63  }
0x175: {  	s2 =	sadd.s32 @!p2 $0x80, s31  }
0x176: {  	s2 =	sand.u32 @!p2 $0x3FFFF8, s2  }
0x177: {  	s3 =	sadd.s32 $0x288, s5;
	s2 =	sadd.s32 @!p2 s1, s2  }
0x178: {  	[hbm4b:s2+s9] =	stream.linear.scatter @!p2 [tilespmem:s3], [sflag:$0xC], $0x80, $0x38;
	[tilespmem:$0x1E678] =	vst v63  }
0x179: {  	s2 =	simm.s32 $0x0  }
0x17a: {  	s2 =	simm.s32 @!p2 $0x400  }
0x17b: {  	s0 =	sadd.s32 s2, s0  }
.LBB2_22:
0x17c: {  	s2 =	sadd.s32 $0x1, s24  }
0x17d: {  	s3 =	sshrl.u32 s2, $0x4  }
0x17e: {  	s3 =	smulhi.u32 $0x24924925, s3  }
0x17f: {  	v1 =	vld [tilespmem:s28+$0xFFFFFF80]  }
0x180: {  	s3 =	smul.u32 $0x70, s3;
	_ =	sdelay $0x1  }
0x181: {  	s24 =	ssub.s32 s2, s3  }
0x182: {  	s2 =	sshll.u32 s24, $0x8  }
0x183: {  	[tilespmem:s2+$0x208] =	vst v1  }
0x184: {  	v1 =	vld [tilespmem:s28+$0xFFFFFF90];
	_ =	sdelay $0x4  }
0x185: {  	[tilespmem:s2+$0x218] =	vst v1  }
0x186: {  	v1 =	vld [tilespmem:s28+$0xFFFFFFA0];
	_ =	sdelay $0x4  }
0x187: {  	[tilespmem:s2+$0x228] =	vst v1  }
0x188: {  	v1 =	vld [tilespmem:s28+$0xFFFFFFB0];
	_ =	sdelay $0x4  }
0x189: {  	[tilespmem:s2+$0x238] =	vst v1  }
0x18a: {  	v1 =	vld [tilespmem:s28+$0xFFFFFFC0];
	_ =	sdelay $0x4  }
0x18b: {  	[tilespmem:s2+$0x248] =	vst v1  }
0x18c: {  	v1 =	vld [tilespmem:s28+$0xFFFFFFD0];
	_ =	sdelay $0x4  }
0x18d: {  	[tilespmem:s2+$0x258] =	vst v1  }
0x18e: {  	v1 =	vld [tilespmem:s28+$0xFFFFFFE0];
	_ =	sdelay $0x4  }
0x18f: {  	[tilespmem:s2+$0x268] =	vst v1  }
0x190: {  	v1 =	vld [tilespmem:s28+$0xFFFFFFF0];
	_ =	sdelay $0x4  }
0x191: {  	[tilespmem:s2+$0x278] =	vst v1  }
0x192: {  	v1 =	vld [tilespmem:s28+$0x0];
	_ =	sdelay $0x4  }
0x193: {  	[tilespmem:s2+$0x288] =	vst v1  }
0x194: {  	v1 =	vld [tilespmem:s28+$0x10];
	_ =	sdelay $0x4  }
0x195: {  	[tilespmem:s2+$0x298] =	vst v1  }
0x196: {  	v1 =	vld [tilespmem:s28+$0x20];
	_ =	sdelay $0x4  }
0x197: {  	[tilespmem:s2+$0x2A8] =	vst v1  }
0x198: {  	v1 =	vld [tilespmem:s28+$0x30];
	_ =	sdelay $0x4  }
0x199: {  	[tilespmem:s2+$0x2B8] =	vst v1  }
0x19a: {  	v1 =	vld [tilespmem:s28+$0x40];
	_ =	sdelay $0x4  }
0x19b: {  	[tilespmem:s2+$0x2C8] =	vst v1  }
0x19c: {  	v1 =	vld [tilespmem:s28+$0x50];
	_ =	sdelay $0x4  }
0x19d: {  	[tilespmem:s2+$0x2D8] =	vst v1  }
0x19e: {  	v1 =	vld [tilespmem:s28+$0x60];
	_ =	sdelay $0x4  }
0x19f: {  	[tilespmem:s2+$0x2E8] =	vst v1  }
0x1a0: {  	v1 =	vld [tilespmem:s28+$0x70]  }
.Ltmp21:
0x1a1: {  	_ = 	snop;
	(pc) =	sbr.rel .LBB2_23-.Ltmp21, $2  }
0x1a2: {  	_ =	sdelay $0x2  }
0x1a3: {  	s30 =	sadd.s32 $0x1, s30;
	[tilespmem:s2+$0x2F8] =	vst v1  }
.LBB2_25:
.Ltmp22:
0x1a4: {  	(pc) =	sbr.rel .LBB2_26-.Ltmp22, $4  }
0x1a5: {  	_ = 	snop  }
0x1a6: {  	s0 =	simm.s32 $0x2  }
0x1a7: {  	_ =	swait.ge [sflag:s0], $0x0  }
0x1a8: {  	s4 =	smov.u32 s31;
	[sflag:s0] =	ssyncset.done $0x0;
	s0 =	simm.s32 $0x0  }
.LBB2_28:
0x1a9: {  	_ =	sfence.sel $0x180000  }
0x1aa: {  	s0 =	simm.s32 $0x9;
	[bflag:$0x0] =	sbarrier.arrive $0xFFFF  }
0x1ab: {  	s24 =	simm.s32 $0xA;
	[sflag:s0] =	ssyncpa.u1 $0x1  }
0x1ac: {  	s25 =	simm.s32 $0xB;
	[sflag:s24] =	ssyncpa.u1 $0x1  }
0x1ad: {  	s26 =	simm.s32 $0x2;
	[sflag:s25] =	ssyncpa.u1 $0x1  }
0x1ae: {  	[sflag:s26] =	ssyncpa.u1 $0x1  }
0x1af: {  	v0 =	vld [tilespmem:$0xE408];
	_ =	sdelay $0x4  }
0x1b0: {  	(v2sf) =	vpush v0, $0x0  }
0x1b1: {  	(v2sf) =	vpush v0, $0x1;
	_ =	sdelay $0x1  }
0x1b2: {  	(v2sf) =	vpush v0, $0x2;
	_ =	sdelay $0xb  }
0x1b3: {  	s0 =	spop (v2sf)  }
0x1b4: {  	s2 =	spop (v2sf)  }
0x1b5: {  	s3 =	smov.u32 s0;
	p0 =	sne.s32 s0, s2  }
0x1b6: {  	s4 =	spop (v2sf);
	s3 =	simm.s32 @!p0 $0xFFFFFFFF  }
0x1b7: {  	v2 =	vimm.s32 $0x1;
	v3 =	vlaneseq.u32;
	p0 =	seq.s32 s4, $0xFFFFFFFF;
	v1 =	vmov s3  }
0x1b8: {  	s15 =	stileid.u32;
	v0 =	vperm.xlane v0, v2;
	p1 =	sne.s32 @!p0 s0, s2;
	v1 =	vperm.xlane v1, v3  }
0x1b9: {  	vm0 =	vcmask $0x3F04;
	s6 =	simm.s32 $0xE408;
	s0 =	simm.s32 @!p0 $0x1;
	p1 =	por !p1, p0  }
0x1ba: {  	s3 =	sshll.u32 s15, $0x1;
	s2 =	sshll.u32 @!p0 s4, $0xA;
	s0 =	simm.s32 @p1 $0x0;
	v0 =	vsel vm0, v1, v0  }
0x1bb: {  	s5 =	sor.u32 $0x2000, s3;
	s2 =	sshra.s32 @!p0 s2, $0x2;
	s0 =	sor.u32 @!p0 s0, s3;
	[tilespmem:$0xE408] =	vst v0  }
0x1bc: {  	[spmem:s5] =	stream.linear.scatter [tilespmem:s6], [sflag:$0x1], $0x2, $0x38;
	[tilespmem:$0x1E678] =	vst v63  }
0x1bd: {  	s2 =	sadd.s32 @!p0 $0x208, s2;
	s0 =	sshll.u32 @!p0 s0, $0x8  }
0x1be: {  	[spmem:s0] =	stream.linear.scatter @!p0 [tilespmem:s2], [sflag:$0x1], $0x100, $0x38;
	[tilespmem:$0x1E678] =	vst v63  }
0x1bf: {  	s0 =	simm.s32 @!p0 $0x102  }
0x1c0: {  	s28 =	simm.s32 $0x1;
	s0 =	simm.s32 @p0 $0x2  }
0x1c1: {  	_ =	swait.ge [sflag:s28], s0  }
0x1c2: {  	s0 =	ssub.s32 $0x0, s0;
	[sflag:s28] =	ssyncset.done $0x0  }
0x1c3: {  	p0 =	sne.s32 s15, $0x0;
	[sflag:s28] =	ssyncadd.s32 s0  }
.Ltmp23:
0x1c4: {  	_ =	sfence.stream.spmem;
	(pc) =	sbr.rel @p0 .LBB2_48-.Ltmp23, $4  }
0x1c5: {  	s29 =	simm.s32 $0x3;
	[bflag:$0x0] =	sbarrier.arrive $0xFFFF  }
0x1c6: {  	s30 =	simm.s32 $0x4;
	[sflag:s29] =	ssyncpa.u1 $0x1  }
0x1c7: {  	s31 =	simm.s32 $0x3C;
	[sflag:s30] =	ssyncpa.u1 $0x1  }
0x1c8: {  	s14 =	rddreg [dreg:$0x5];
	[sflag:s31] =	ssyncpa.u1 $0x1  }
0x1c9: {  	_ =	sfence.stream.spmem;
	s0 =	simm.s32 $0x5  }
0x1ca: {  	s2 =	simm.s32 $0x2000;
	s3 =	simm.s32 $0xE418;
	[sflag:s0] =	ssyncpa.u1 $0x0  }
0x1cb: {  	[tilespmem:s3], [sflag:$0x5] =	stream.linear.gather [spmem:s2], $0x20, $0x38;
	[tilespmem:$0x1E678] =	vst v63  }
0x1cc: {  	s26 =	simm.s32 $0x0;
	s28 =	simm.s32 $0xE438  }
0x1cd: {  	[tilespmem:s28], [sflag:$0x5] =	stream.linear.gather [spmem:s26], $0x2000, $0x38;
	[tilespmem:$0x1E678] =	vst v63  }
0x1ce: {  	_ =	swait.ge [sflag:s0], $0x2020  }
0x1cf: {  	[sflag:s0] =	ssyncset.done $0x0  }
0x1d0: {  	s29 =	simm.s32 $0x0;
	[sflag:s0] =	ssyncadd.s32 $0xFFFFDFE0  }
0x1d1: {  	v0 =	vld.msk [tilespmem:s29+$0xE418], $0x1;
	_ =	sdelay $0x1  }
0x1d2: {  	s30 =	simm.s32 $0x1  }
0x1d3: {  	v1 =	vld.msk [tilespmem:s30+$0xE418], $0x1;
	_ =	sdelay $0x1  }
0x1d4: {  	(v2sf) =	vpush v0, $0x0;
	_ =	sdelay $0x2  }
0x1d5: {  	(v2sf) =	vpush v1, $0x0;
	_ =	sdelay $0x2  }
0x1d6: {  	s31 =	simm.s32 $0x2  }
0x1d7: {  	v0 =	vld.msk [tilespmem:s31+$0xE418], $0x1;
	_ =	sdelay $0x2  }
0x1d8: {  	s2 =	simm.s32 $0xFFFFFFFF;
	s3 =	simm.s32 $0xFFFFFFFF;
	s0 =	simm.s32 $0xC  }
.LBB2_30:
0x1d9: {  	s4 =	smov.u32 s3;
	s5 =	smov.u32 s2  }
0x1da: {  	s2 =	sshra.s32 s0, $0x2;
	p1 =	sne.s32 s0, $0x7C;
	s0 =	sadd.s32 $0x4, s0;
	(v2sf) =	vpush v0, $0x0  }
0x1db: {  	v0 =	vld.msk [tilespmem:s2+$0xE418], $0x1  }
.Ltmp24:
0x1dc: {  	(pc) =	sbr.rel @p1 .LBB2_30-.Ltmp24, $4  }
0x1dd: {  	s3 =	spop (v2sf)  }
0x1de: {  	p2 =	sne.s32 s5, $0xFFFFFFFF;
	s2 =	smov.u32 s3  }
0x1df: {  	p3 =	seq.s32 s3, $0xFFFFFFFF;
	s2 =	smov.u32 @p2 s5  }
0x1e0: {  	s3 =	smov.u32 @p3 s4;
	s2 =	smov.u32 @p3 s5  }
0x1e1: {  	(v2sf) =	vpush v0, $0x0;
	_ =	sdelay $0x8  }
0x1e2: {  	s0 =	spop (v2sf)  }
0x1e3: {  	p1 =	sne.s32 s2, $0xFFFFFFFF;
	s9 =	simm.s32 $0x6;
	s4 =	smov.u32 s0  }
0x1e4: {  	s6 =	simm.s32 $0x0;
	p2 =	seq.s32 s0, $0xFFFFFFFF;
	s4 =	smov.u32 @p1 s2  }
0x1e5: {  	s10 =	simm.s32 $0xE308;
	s4 =	smov.u32 @p2 s2;
	s2 =	spop (v2sf)  }
0x1e6: {  	s0 =	smov.u32 @p2 s3;
	p1 =	sne.s32 s4, $0xFFFFFFFF;
	s5 =	smov.u32 s2  }
.Ltmp25:
0x1e7: {  	p2 =	seq.s32 s2, $0xFFFFFFFF;
	s5 =	smov.u32 @p1 s4;
	(pc) =	sbr.rel .LBB2_32-.Ltmp25, $4  }
0x1e8: {  	s11 =	simm.s32 $0xE388;
	s5 =	smov.u32 @p2 s4;
	s7 =	spop (v2sf)  }
0x1e9: {  	s12 =	simm.s32 $0x0;
	p1 =	sne.s32 s5, $0xFFFFFFFF;
	s8 =	smov.u32 s7  }
0x1ea: {  	s2 =	smov.u32 @p2 s0;
	p2 =	seq.s32 s7, $0xFFFFFFFF;
	s8 =	smov.u32 @p1 s5  }
0x1eb: {  	[sflag:s9] =	ssyncpa.u1 $0x0;
	s7 =	smov.u32 @p2 s2;
	s8 =	smov.u32 @p2 s5  }
.LBB2_37:
0x1ec: {  	s0 =	sshll.u32 s12, $0x8  }
0x1ed: {  	s31 =	sshll.u32 s5, $0xA;
	s4 =	sand.u32 $0x3FFFFF00, s0  }
0x1ee: {  	s0 =	sshra.s32 s31, $0x2;
	v0 =	vld [tilespmem:s4+$0xE438]  }
0x1ef: {  	v1 =	vld [tilespmem:s0+$0xE438];
	_ =	sdelay $0x4  }
0x1f0: {  	v0 =	vmax.f32 v0, v1  }
0x1f1: {  	v49 =	vld [tilespmem:s0+$0xE448];
	[tilespmem:s0+$0xE438] =	vst v0  }
0x1f2: {  	v0 =	vld [tilespmem:s4+$0xE448];
	_ =	sdelay $0x4  }
0x1f3: {  	v0 =	vmax.f32 v0, v49  }
0x1f4: {  	v50 =	vld [tilespmem:s0+$0xE458];
	[tilespmem:s0+$0xE448] =	vst v0  }
0x1f5: {  	v0 =	vld [tilespmem:s4+$0xE458];
	_ =	sdelay $0x4  }
0x1f6: {  	v0 =	vmax.f32 v0, v50  }
0x1f7: {  	v51 =	vld [tilespmem:s0+$0xE468];
	[tilespmem:s0+$0xE458] =	vst v0  }
0x1f8: {  	v0 =	vld [tilespmem:s4+$0xE468];
	_ =	sdelay $0x4  }
0x1f9: {  	v0 =	vmax.f32 v0, v51  }
0x1fa: {  	v52 =	vld [tilespmem:s0+$0xE478];
	[tilespmem:s0+$0xE468] =	vst v0  }
0x1fb: {  	v0 =	vld [tilespmem:s4+$0xE478];
	_ =	sdelay $0x4  }
0x1fc: {  	v0 =	vmax.f32 v0, v52  }
0x1fd: {  	v53 =	vld [tilespmem:s0+$0xE488];
	[tilespmem:s0+$0xE478] =	vst v0  }
0x1fe: {  	v0 =	vld [tilespmem:s4+$0xE488];
	_ =	sdelay $0x4  }
0x1ff: {  	v0 =	vmax.f32 v0, v53  }
0x200: {  	v54 =	vld [tilespmem:s0+$0xE498];
	[tilespmem:s0+$0xE488] =	vst v0  }
0x201: {  	v0 =	vld [tilespmem:s4+$0xE498];
	_ =	sdelay $0x4  }
0x202: {  	v0 =	vmax.f32 v0, v54  }
0x203: {  	v55 =	vld [tilespmem:s0+$0xE4A8];
	[tilespmem:s0+$0xE498] =	vst v0  }
0x204: {  	v0 =	vld [tilespmem:s4+$0xE4A8];
	_ =	sdelay $0x4  }
0x205: {  	v0 =	vmax.f32 v0, v55  }
0x206: {  	v56 =	vld [tilespmem:s0+$0xE4B8];
	[tilespmem:s0+$0xE4A8] =	vst v0  }
0x207: {  	v0 =	vld [tilespmem:s4+$0xE4B8];
	_ =	sdelay $0x4  }
0x208: {  	v0 =	vmax.f32 v0, v56  }
0x209: {  	v57 =	vld [tilespmem:s0+$0xE4C8];
	[tilespmem:s0+$0xE4B8] =	vst v0  }
0x20a: {  	v0 =	vld [tilespmem:s4+$0xE4C8];
	_ =	sdelay $0x4  }
0x20b: {  	v0 =	vmax.f32 v0, v57  }
0x20c: {  	v58 =	vld [tilespmem:s0+$0xE4D8];
	[tilespmem:s0+$0xE4C8] =	vst v0  }
0x20d: {  	v0 =	vld [tilespmem:s4+$0xE4D8];
	_ =	sdelay $0x4  }
0x20e: {  	v0 =	vmax.f32 v0, v58  }
0x20f: {  	v59 =	vld [tilespmem:s0+$0xE4E8];
	[tilespmem:s0+$0xE4D8] =	vst v0  }
0x210: {  	v0 =	vld [tilespmem:s4+$0xE4E8];
	_ =	sdelay $0x4  }
0x211: {  	v0 =	vmax.f32 v0, v59  }
0x212: {  	v60 =	vld [tilespmem:s0+$0xE4F8];
	[tilespmem:s0+$0xE4E8] =	vst v0  }
0x213: {  	v0 =	vld [tilespmem:s4+$0xE4F8];
	_ =	sdelay $0x4  }
0x214: {  	v0 =	vmax.f32 v0, v60  }
0x215: {  	v61 =	vld [tilespmem:s0+$0xE508];
	[tilespmem:s0+$0xE4F8] =	vst v0  }
0x216: {  	v0 =	vld [tilespmem:s4+$0xE508];
	_ =	sdelay $0x4  }
0x217: {  	v0 =	vmax.f32 v0, v61  }
0x218: {  	v62 =	vld [tilespmem:s0+$0xE518];
	[tilespmem:s0+$0xE508] =	vst v0  }
0x219: {  	v0 =	vld [tilespmem:s4+$0xE518];
	_ =	sdelay $0x4  }
0x21a: {  	v0 =	vmax.f32 v0, v62  }
0x21b: {  	v63 =	vld [tilespmem:s0+$0xE528];
	[tilespmem:s0+$0xE518] =	vst v0  }
0x21c: {  	v0 =	vld [tilespmem:s4+$0xE528];
	_ =	sdelay $0x4  }
0x21d: {  	v0 =	vmax.f32 v0, v63  }
0x21e: {  	[tilespmem:s0+$0xE528] =	vst v0  }
.LBB2_42:
0x21f: {  	s12 =	sadd.s32 $0x1, s12  }
0x220: {  	p1 =	sne.s32 s12, $0x20  }
.Ltmp26:
0x221: {  	_ = 	snop;
	(pc) =	sbr.rel @!p1 .LBB2_43-.Ltmp26, $1  }
0x222: {  	_ =	sdelay $0x3  }
.LBB2_32:
0x223: {  	v0 =	vld.msk [tilespmem:s12+$0xE418], $0x1;
	_ =	sdelay $0x4  }
0x224: {  	(v2sf) =	vpush v0, $0x0;
	_ =	sdelay $0xe  }
0x225: {  	s0 =	spop (v2sf)  }
0x226: {  	p1 =	seq.s32 s0, $0xFFFFFFFF  }
.Ltmp27:
0x227: {  	_ = 	snop;
	(pc) =	sbr.rel @p1 .LBB2_42-.Ltmp27, $1  }
0x228: {  	_ =	sdelay $0x3  }
0x229: {  	p1 =	slt.s32 s6, $0x1  }
.Ltmp28:
0x22a: {  	_ = 	snop;
	(pc) =	sbr.rel @p1 .LBB2_38-.Ltmp28, $1  }
0x22b: {  	_ =	sdelay $0x3  }
0x22c: {  	s4 =	simm.s32 $0xE418;
	p1 =	por $0x0, $0x0  }
0x22d: {  	v1 =	vld.msk @!p1 [tilespmem:s4+$0x0], $0x1;
	_ =	sdelay $0x4  }
0x22e: {  	(v2sf) =	vpush @!p1 v1, $0x0;
	_ =	sdelay $0xd  }
0x22f: {  	p3 =	sne.s32 s6, $0x1  }
.Ltmp29:
0x230: {  	s2 =	spop @!p1 (v2sf);
	(pc) =	sbr.rel @!p3 .LBB2_36-.Ltmp29, $4  }
0x231: {  	p2 =	seq.s32 @!p1 s0, s2  }
0x232: {  	s5 =	simm.s32 $0x0;
	p2 =	por !p2, p1  }
0x233: {  	s2 =	simm.s32 $0xFFFFFFFF;
	s5 =	simm.s32 @p2 $0xFFFFFFFF  }
0x234: {  	s13 =	simm.s32 $0x1;
	s5 =	smov.u32 @p1 s2  }
.LBB2_35:
0x235: {  	s2 =	smov.u32 s5;
	p1 =	sne.s32 s5, $0xFFFFFFFF  }
0x236: {  	s4 =	sadd.s32 $0x1, s4;
	s5 =	smov.u32 s13;
	s13 =	sadd.s32 $0x1, s13  }
0x237: {  	p2 =	sne.s32 s6, s13;
	v1 =	vld.msk @!p1 [tilespmem:s4+$0x0], $0x1;
	_ =	sdelay $0x4  }
0x238: {  	(v2sf) =	vpush @!p1 v1, $0x0;
	_ =	sdelay $0xe  }
.Ltmp30:
0x239: {  	s3 =	spop @!p1 (v2sf);
	(pc) =	sbr.rel @p2 .LBB2_35-.Ltmp30, $4  }
0x23a: {  	p3 =	seq.s32 @!p1 s0, s3  }
0x23b: {  	p3 =	por !p3, p1  }
0x23c: {  	s5 =	simm.s32 @p3 $0xFFFFFFFF  }
0x23d: {  	s5 =	smov.u32 @p1 s2  }
.LBB2_36:
0x23e: {  	p1 =	seq.s32 s5, $0xFFFFFFFF  }
.Ltmp31:
0x23f: {  	_ = 	snop;
	(pc) =	sbr.rel @!p1 .LBB2_37-.Ltmp31, $1  }
0x240: {  	_ =	sdelay $0x3  }
.LBB2_38:
0x241: {  	p1 =	sgt.u32 s0, $0x186970  }
0x242: {  	p2 =	seq.s32 @!p1 s0, s8  }
0x243: {  	p1 =	por p1, p2  }
0x244: {  	p2 =	sne.s32 @!p1 s0, s7  }
0x245: {  	p1 =	por p1, !p2  }
.Ltmp32:
0x246: {  	_ = 	snop;
	(pc) =	sbr.rel @p1 .LBB2_39-.Ltmp32, $1  }
0x247: {  	_ =	sdelay $0x3  }
0x248: {  	s2 =	sand.u32 $0x1FFFF8, s0;
	s31 =	sadd.s32 $0x80, s0  }
0x249: {  	s3 =	sand.u32 $0x7, s0;
	s2 =	sadd.s32 s1, s2;
	s0 =	sand.u32 $0x3FFFF8, s31  }
0x24a: {  	[tilespmem:s10], [sflag:$0x6] =	stream.linear.gather [hbm4b:s2+s3], $0x80, $0x38;
	[tilespmem:$0x1E678] =	vst v63  }
0x24b: {  	s0 =	sadd.s32 s1, s0  }
0x24c: {  	[tilespmem:s11], [sflag:$0x6] =	stream.linear.gather [hbm4b:s0+s3], $0x80, $0x38;
	[tilespmem:$0x1E678] =	vst v63  }
0x24d: {  	_ =	swait.ge [sflag:s9], $0x100  }
0x24e: {  	[sflag:s9] =	ssyncset.done $0x0  }
0x24f: {  	s0 =	sshll.u32 s12, $0xA;
	[sflag:s9] =	ssyncadd.s32 $0xFFFFFF00  }
0x250: {  	s4 =	sshrl.u32 s0, $0x2;
	v1 =	vld [tilespmem:$0xE308]  }
0x251: {  	v2 =	vld [tilespmem:s4+$0xE438];
	_ =	sdelay $0x4  }
0x252: {  	v1 =	vmax.f32 v1, v2  }
0x253: {  	v2 =	vld [tilespmem:s4+$0xE448];
	[tilespmem:s4+$0xE438] =	vst v1  }
0x254: {  	v1 =	vld [tilespmem:$0xE318];
	_ =	sdelay $0x4  }
0x255: {  	v1 =	vmax.f32 v1, v2  }
0x256: {  	v2 =	vld [tilespmem:s4+$0xE458];
	[tilespmem:s4+$0xE448] =	vst v1  }
0x257: {  	v1 =	vld [tilespmem:$0xE328];
	_ =	sdelay $0x4  }
0x258: {  	v1 =	vmax.f32 v1, v2  }
0x259: {  	v2 =	vld [tilespmem:s4+$0xE468];
	[tilespmem:s4+$0xE458] =	vst v1  }
0x25a: {  	v1 =	vld [tilespmem:$0xE338];
	_ =	sdelay $0x4  }
0x25b: {  	v1 =	vmax.f32 v1, v2  }
0x25c: {  	v2 =	vld [tilespmem:s4+$0xE478];
	[tilespmem:s4+$0xE468] =	vst v1  }
0x25d: {  	v1 =	vld [tilespmem:$0xE348];
	_ =	sdelay $0x4  }
0x25e: {  	v1 =	vmax.f32 v1, v2  }
0x25f: {  	v2 =	vld [tilespmem:s4+$0xE488];
	[tilespmem:s4+$0xE478] =	vst v1  }
0x260: {  	v1 =	vld [tilespmem:$0xE358];
	_ =	sdelay $0x4  }
0x261: {  	v1 =	vmax.f32 v1, v2  }
0x262: {  	v2 =	vld [tilespmem:s4+$0xE498];
	[tilespmem:s4+$0xE488] =	vst v1  }
0x263: {  	v1 =	vld [tilespmem:$0xE368];
	_ =	sdelay $0x4  }
0x264: {  	v1 =	vmax.f32 v1, v2  }
0x265: {  	v2 =	vld [tilespmem:s4+$0xE4A8];
	[tilespmem:s4+$0xE498] =	vst v1  }
0x266: {  	v1 =	vld [tilespmem:$0xE378];
	_ =	sdelay $0x4  }
0x267: {  	v1 =	vmax.f32 v1, v2  }
0x268: {  	v2 =	vld [tilespmem:s4+$0xE4B8];
	[tilespmem:s4+$0xE4A8] =	vst v1  }
0x269: {  	v1 =	vld [tilespmem:$0xE388];
	_ =	sdelay $0x4  }
0x26a: {  	v1 =	vmax.f32 v1, v2  }
0x26b: {  	v2 =	vld [tilespmem:s4+$0xE4C8];
	[tilespmem:s4+$0xE4B8] =	vst v1  }
0x26c: {  	v1 =	vld [tilespmem:$0xE398];
	_ =	sdelay $0x4  }
0x26d: {  	v1 =	vmax.f32 v1, v2  }
0x26e: {  	v2 =	vld [tilespmem:s4+$0xE4D8];
	[tilespmem:s4+$0xE4C8] =	vst v1  }
0x26f: {  	v1 =	vld [tilespmem:$0xE3A8];
	_ =	sdelay $0x4  }
0x270: {  	v1 =	vmax.f32 v1, v2  }
0x271: {  	v2 =	vld [tilespmem:s4+$0xE4E8];
	[tilespmem:s4+$0xE4D8] =	vst v1  }
0x272: {  	v1 =	vld [tilespmem:$0xE3B8];
	_ =	sdelay $0x4  }
0x273: {  	v1 =	vmax.f32 v1, v2  }
0x274: {  	v2 =	vld [tilespmem:s4+$0xE4F8];
	[tilespmem:s4+$0xE4E8] =	vst v1  }
0x275: {  	v1 =	vld [tilespmem:$0xE3C8];
	_ =	sdelay $0x4  }
0x276: {  	v1 =	vmax.f32 v1, v2  }
0x277: {  	v2 =	vld [tilespmem:s4+$0xE508];
	[tilespmem:s4+$0xE4F8] =	vst v1  }
0x278: {  	v1 =	vld [tilespmem:$0xE3D8];
	_ =	sdelay $0x4  }
0x279: {  	v1 =	vmax.f32 v1, v2  }
0x27a: {  	v2 =	vld [tilespmem:s4+$0xE518];
	[tilespmem:s4+$0xE508] =	vst v1  }
0x27b: {  	v1 =	vld [tilespmem:$0xE3E8];
	_ =	sdelay $0x4  }
0x27c: {  	v1 =	vmax.f32 v1, v2  }
0x27d: {  	v2 =	vld [tilespmem:s4+$0xE528];
	[tilespmem:s4+$0xE518] =	vst v1  }
0x27e: {  	v1 =	vld [tilespmem:$0xE3F8];
	_ =	sdelay $0x4  }
0x27f: {  	v1 =	vmax.f32 v1, v2  }
0x280: {  	[tilespmem:s4+$0xE528] =	vst v1  }
.LBB2_41:
0x281: {  	[tilespmem:s6+$0xE418] =	vst.msk $0x1, v0;
	s0 =	sshrl.u32 s0, $0x2  }
0x282: {  	v0 =	vld [tilespmem:s0+$0xE438];
	_ =	sdelay $0x2  }
0x283: {  	s2 =	sshll.u32 s6, $0xA  }
0x284: {  	s2 =	sshra.s32 s2, $0x2  }
0x285: {  	[tilespmem:s2+$0xE438] =	vst v0  }
0x286: {  	v0 =	vld [tilespmem:s0+$0xE448];
	_ =	sdelay $0x4  }
0x287: {  	[tilespmem:s2+$0xE448] =	vst v0  }
0x288: {  	v0 =	vld [tilespmem:s0+$0xE458];
	_ =	sdelay $0x4  }
0x289: {  	[tilespmem:s2+$0xE458] =	vst v0  }
0x28a: {  	v0 =	vld [tilespmem:s0+$0xE468];
	_ =	sdelay $0x4  }
0x28b: {  	[tilespmem:s2+$0xE468] =	vst v0  }
0x28c: {  	v0 =	vld [tilespmem:s0+$0xE478];
	_ =	sdelay $0x4  }
0x28d: {  	[tilespmem:s2+$0xE478] =	vst v0  }
0x28e: {  	v0 =	vld [tilespmem:s0+$0xE488];
	_ =	sdelay $0x4  }
0x28f: {  	[tilespmem:s2+$0xE488] =	vst v0  }
0x290: {  	v0 =	vld [tilespmem:s0+$0xE498];
	_ =	sdelay $0x4  }
0x291: {  	[tilespmem:s2+$0xE498] =	vst v0  }
0x292: {  	v0 =	vld [tilespmem:s0+$0xE4A8];
	_ =	sdelay $0x4  }
0x293: {  	[tilespmem:s2+$0xE4A8] =	vst v0  }
0x294: {  	v0 =	vld [tilespmem:s0+$0xE4B8];
	_ =	sdelay $0x4  }
0x295: {  	[tilespmem:s2+$0xE4B8] =	vst v0  }
0x296: {  	v0 =	vld [tilespmem:s0+$0xE4C8];
	_ =	sdelay $0x4  }
0x297: {  	[tilespmem:s2+$0xE4C8] =	vst v0  }
0x298: {  	v0 =	vld [tilespmem:s0+$0xE4D8];
	_ =	sdelay $0x4  }
0x299: {  	[tilespmem:s2+$0xE4D8] =	vst v0  }
0x29a: {  	v0 =	vld [tilespmem:s0+$0xE4E8];
	_ =	sdelay $0x4  }
0x29b: {  	[tilespmem:s2+$0xE4E8] =	vst v0  }
0x29c: {  	v0 =	vld [tilespmem:s0+$0xE4F8];
	_ =	sdelay $0x4  }
0x29d: {  	[tilespmem:s2+$0xE4F8] =	vst v0  }
0x29e: {  	v0 =	vld [tilespmem:s0+$0xE508];
	_ =	sdelay $0x4  }
0x29f: {  	[tilespmem:s2+$0xE508] =	vst v0  }
0x2a0: {  	v0 =	vld [tilespmem:s0+$0xE518];
	_ =	sdelay $0x4  }
0x2a1: {  	[tilespmem:s2+$0xE518] =	vst v0  }
0x2a2: {  	v0 =	vld [tilespmem:s0+$0xE528]  }
.Ltmp33:
0x2a3: {  	_ = 	snop;
	(pc) =	sbr.rel .LBB2_42-.Ltmp33, $2  }
0x2a4: {  	_ =	sdelay $0x2  }
0x2a5: {  	s6 =	sadd.s32 $0x1, s6;
	[tilespmem:s2+$0xE528] =	vst v0  }
.LBB2_39:
.Ltmp34:
0x2a6: {  	(pc) =	sbr.rel .LBB2_41-.Ltmp34, $2  }
0x2a7: {  	_ =	sdelay $0x2  }
0x2a8: {  	s0 =	sshll.u32 s12, $0xA  }
.LBB2_43:
0x2a9: {  	s0 =	simm.s32 $0x6;
	p1 =	seq.s32 s6, $0x0  }
0x2aa: {  	[sflag:s0] =	ssyncpa.u1 $0x1;
	v0 =	vimm.s32 @p1 $0xFFFFFFFF  }
0x2ab: {  	s0 =	sadd.s32 $0xFFFFFFFF, s6;
	[tilespmem:$0x10438] =	vst @p1 v0  }
0x2ac: {  	v0 =	vld.msk @!p1 [tilespmem:s0+$0xE418], $0x1;
	_ =	sdelay $0x1  }
0x2ad: {  	v1 =	vld.msk @!p1 [tilespmem:$0xE418], $0x1;
	_ =	sdelay $0x2  }
0x2ae: {  	p2 =	seq.s32 @!p1 s0, $0x0;
	v0 =	vbroadcast @!p1 v0, $0x0  }
0x2af: {  	vm0 =	vmmov @!p1 $0x1;
	p2 =	por !p2, p1  }
0x2b0: {  	v1 =	vnsel @!p1 vm0, $0xFFFFFFFF, v1;
	vm0 =	vcmask @!p1 $0x308;
	v0 =	vpsel !p2, $0xFFFFFFFF, v0  }
0x2b1: {  	p2 =	sne.s32 @!p1 s8, s7;
	v0 =	vsel @!p1 vm0, v1, v0  }
0x2b2: {  	s2 =	simm.s32 @!p1 $0xE438;
	s3 =	simm.s32 @!p1 $0x0;
	p3 =	por !p2, p1;
	[tilespmem:$0x10438] =	vst @!p1 v0  }
0x2b3: {  	[spmem:s3] =	stream.linear.scatter @!p1 [tilespmem:s2], [sflag:$0x1], $0x100, $0x38;
	[tilespmem:$0x1E678] =	vst v63  }
0x2b4: {  	s2 =	sshll.u32 @!p3 s0, $0xA  }
0x2b5: {  	s2 =	sshra.s32 @!p3 s2, $0x2  }
0x2b6: {  	s3 =	simm.s32 @!p3 $0x100;
	s2 =	sadd.s32 @!p3 $0xE438, s2  }
0x2b7: {  	[spmem:s3] =	stream.linear.scatter @!p3 [tilespmem:s2], [sflag:$0x1], $0x100, $0x38;
	[tilespmem:$0x1E678] =	vst v63  }
0x2b8: {  	s2 =	simm.s32 @!p3 $0x1  }
0x2b9: {  	_ =	swait.ge @!p3 [sflag:s2], $0x200  }
0x2ba: {  	p1 =	por p2, p1;
	[sflag:s2] =	ssyncset.done @!p3 $0x0  }
0x2bb: {  	[sflag:s2] =	ssyncadd.s32 @!p3 $0xFFFFFE00;
	s2 =	simm.s32 @!p1 $0x1  }
0x2bc: {  	_ =	swait.ge @!p1 [sflag:s2], $0x100  }
0x2bd: {  	s29 =	simm.s32 $0x10438;
	[sflag:s2] =	ssyncset.done @!p1 $0x0  }
0x2be: {  	s30 =	simm.s32 $0x2000;
	s31 =	simm.s32 $0x1;
	[sflag:s2] =	ssyncadd.s32 @!p1 $0xFFFFFF00  }
0x2bf: {  	[spmem:s30] =	stream.linear.scatter [tilespmem:s29], [sflag:$0x1], $0x10, $0x38;
	[tilespmem:$0x1E678] =	vst v63  }
0x2c0: {  	_ =	swait.ge [sflag:s31], $0x10  }
0x2c1: {  	[sflag:s31] =	ssyncset.done $0x0  }
0x2c2: {  	p1 =	seq.s32 s14, $0x0;
	s9 =	rddreg [dreg:$0x2];
	[sflag:s31] =	ssyncadd.s32 $0xFFFFFFF0  }
0x2c3: {  	s3 =	sshll.u32 @p1 s9, $0xE;
	s8 =	rddreg [dreg:$0x3]  }
0x2c4: {  	s2 =	sadd.s32 @p1 $0x15C3C, s3;
	s3 =	sshll.u32 @p1 s8, $0x11  }
0x2c5: {  	_ =	sfence.stream.spmem;
	s2 =	sor.u32 @p1 s3, s2  }
0x2c6: {  	[sflag:s2] =	ssyncadd.remote.s32 @p1 $0x1;
	s2 =	simm.s32 @p1 $0x4  }
0x2c7: {  	s4 =	simm.s32 @!p1 $0x3C;
	s3 =	sand.u32 $0xFFFFFFFE, s9;
	_ =	swait.ge @p1 [sflag:s2], $0x42  }
0x2c8: {  	s5 =	simm.s32 @!p1 $0x0;
	s3 =	sadd.s32 @!p1 $0x4, s3;
	[sflag:s2] =	ssyncset.done @p1 $0x0  }
0x2c9: {  	s7 =	simm.s32 @!p1 $0x200;
	[sflag:s2] =	ssyncadd.s32 @p1 $0xFFFFFFBE;
	s2 =	sshll.u32 @!p1 s3, $0x1A  }
0x2ca: {  	s3 =	sshll.u32 @!p1 s3, $0xD;
	s2 =	sor.u32 @!p1 s2, s8;
	_ =	swait.eq @!p1 [sflag:s4], $0x1  }
0x2cb: {  	s3 =	sor.u32 @!p1 $0x1C04, s3;
	s4 =	simm.s32 @!p1 $0x1C03;
	s2 =	sor.u32 @!p1 $0x80004000, s2  }
0x2cc: {  	[spmem:s7], [sflag:s3] =	dma.general @!p1 [spmem:s5], [sflag:s4], length:$0x40, [dreg:$0x0], stride_count:$0x0, ici_dest:s2, dma_misc:DstOpCode:WRITE  }
0x2cd: {  	p2 =	slt.s32 s0, $0x2;
	s5 =	simm.s32 @!p1 $0x400;
	s7 =	simm.s32 @!p1 $0x402  }
0x2ce: {  	[spmem:s7], [sflag:s3] =	dma.general @!p1 [spmem:s5], [sflag:s4], length:$0x2, [dreg:$0x0], stride_count:$0x0, ici_dest:s2, dma_misc:DstOpCode:WRITE  }
.Ltmp35:
0x2cf: {  	s2 =	simm.s32 @!p1 $0x3;
	(pc) =	sbr.rel @p2 .LBB2_47-.Ltmp35, $4  }
0x2d0: {  	s3 =	sshll.u32 @!p1 s9, $0xE;
	_ =	swait.ge @!p1 [sflag:s2], $0x42  }
0x2d1: {  	s4 =	sshll.u32 @!p1 s8, $0x11;
	s3 =	sadd.s32 @!p1 $0x11C3C, s3;
	[sflag:s2] =	ssyncset.done @!p1 $0x0  }
0x2d2: {  	[sflag:s2] =	ssyncadd.s32 @!p1 $0xFFFFFFBE;
	s2 =	sor.u32 @!p1 s4, s3  }
0x2d3: {  	s0 =	simm.s32 $0x0;
	[sflag:s2] =	ssyncadd.remote.s32 @!p1 $0xFFFFFFFF  }
0x2d4: {  	s0 =	simm.s32 $0xE419  }
0x2d5: {  	v0 =	vld.msk [tilespmem:s0+$0x0], $0x1;
	_ =	sdelay $0x4  }
0x2d6: {  	(v2sf) =	vpush v0, $0x0;
	_ =	sdelay $0xd  }
0x2d7: {  	s31 =	sadd.s32 $0xFFFFFFFE, s6  }
0x2d8: {  	s6 =	simm.s32 $0x0;
	s0 =	sadd.s32 $0xFFFFFFFF, s31;
	s2 =	spop (v2sf)  }
0x2d9: {  	s3 =	simm.s32 $0xE538;
	p1 =	sne.s32 s0, $0x0;
	p2 =	sgt.u32 s2, $0x186970  }
.Ltmp36:
0x2da: {  	s4 =	simm.s32 $0xE638;
	s5 =	sand.u32 @!p2 $0x1FFFF8, s2;
	(pc) =	sbr.rel @!p1 .LBB2_46-.Ltmp36, $4  }
0x2db: {  	s7 =	sadd.s32 @!p2 $0x80, s2;
	s2 =	sand.u32 @!p2 $0x7, s2;
	s6 =	simm.s32 @!p2 $0x400  }
0x2dc: {  	s5 =	sadd.s32 @!p2 s1, s5;
	s7 =	sand.u32 @!p2 $0x3FFFF8, s7;
	s6 =	sadd.s32 $0x0, s6  }
0x2dd: {  	[hbm4b:s5+s2] =	stream.linear.scatter @!p2 [tilespmem:s3], [sflag:$0x5], $0x80, $0x38;
	[tilespmem:$0x1E678] =	vst v63  }
0x2de: {  	s5 =	simm.s32 $0xE41A;
	s3 =	simm.s32 @!p2 $0xE5B8;
	s7 =	sadd.s32 @!p2 s1, s7  }
.LBB2_45:
0x2df: {  	[hbm4b:s7+s2] =	stream.linear.scatter @!p2 [tilespmem:s3], [sflag:$0x5], $0x80, $0x38;
	[tilespmem:$0x1E678] =	vst v63  }
0x2e0: {  	s0 =	sadd.s32 $0xFFFFFFFF, s0;
	s3 =	smov.u32 s4;
	v0 =	vld.msk [tilespmem:s5+$0x0], $0x1  }
0x2e1: {  	p1 =	sne.s32 s0, $0x0;
	_ =	sdelay $0x3  }
0x2e2: {  	(v2sf) =	vpush v0, $0x0;
	_ =	sdelay $0xe  }
0x2e3: {  	s4 =	sadd.s32 $0x100, s4;
	s8 =	simm.s32 $0x0;
	s2 =	spop (v2sf)  }
.Ltmp37:
0x2e4: {  	s5 =	sadd.s32 $0x1, s5;
	p2 =	sgt.u32 s2, $0x186970;
	(pc) =	sbr.rel @p1 .LBB2_45-.Ltmp37, $4  }
0x2e5: {  	s8 =	simm.s32 @!p2 $0x400;
	s7 =	sand.u32 @!p2 $0x1FFFF8, s2;
	s9 =	sadd.s32 @!p2 $0x80, s2  }
0x2e6: {  	s2 =	sand.u32 @!p2 $0x7, s2;
	s7 =	sadd.s32 @!p2 s1, s7;
	s9 =	sand.u32 @!p2 $0x3FFFF8, s9  }
0x2e7: {  	[hbm4b:s7+s2] =	stream.linear.scatter @!p2 [tilespmem:s3], [sflag:$0x5], $0x80, $0x38;
	[tilespmem:$0x1E678] =	vst v63  }
0x2e8: {  	s6 =	sadd.s32 s6, s8;
	s3 =	sadd.s32 @!p2 $0x80, s3;
	s7 =	sadd.s32 @!p2 s1, s9  }
.LBB2_46:
0x2e9: {  	[hbm4b:s7+s2] =	stream.linear.scatter @!p2 [tilespmem:s3], [sflag:$0x5], $0x80, $0x38;
	[tilespmem:$0x1E678] =	vst v63  }
0x2ea: {  	s0 =	sshrl.u32 s6, $0x2  }
.LBB2_47:
0x2eb: {  	s2 =	simm.s32 $0x5  }
0x2ec: {  	_ =	swait.ge [sflag:s2], s0  }
0x2ed: {  	s31 =	ssub.s32 $0x0, s0;
	[sflag:s2] =	ssyncset.done $0x0  }
0x2ee: {  	[sflag:s2] =	ssyncadd.s32 s31  }
0x2ef: {  	[sflag:s2] =	ssyncpa.u1 $0x1  }
.LBB2_48:
0x2f0: {  	s0 =	sor.u32 s14, s15  }
0x2f1: {  	p1 =	sne.s32 s0, $0x0  }
.Ltmp38:
0x2f2: {  	_ = 	snop;
	(pc) =	sbr.rel @p1 .LBB2_66-.Ltmp38, $3  }
0x2f3: {  	_ =	sdelay $0x1  }
0x2f4: {  	[bflag:$0x0] =	sbarrier.arrive $0xFFFF  }
0x2f5: {  	_ =	sfence  }
0x2f6: {  	s0 =	simm.s32 $0x7  }
0x2f7: {  	s2 =	simm.s32 $0x2000;
	s3 =	simm.s32 $0xE418;
	[sflag:s0] =	ssyncpa.u1 $0x0  }
0x2f8: {  	[tilespmem:s3], [sflag:$0x7] =	stream.linear.gather [spmem:s2], $0x20, $0x38;
	[tilespmem:$0x1E678] =	vst v63  }
0x2f9: {  	s31 =	simm.s32 $0xE438;
	s2 =	simm.s32 $0x0  }
0x2fa: {  	[tilespmem:s31], [sflag:$0x7] =	stream.linear.gather [spmem:s2], $0x2000, $0x38;
	[tilespmem:$0x1E678] =	vst v63  }
.Ltmp39:
0x2fb: {  	_ = 	snop;
	(pc) =	sbr.rel .LBB2_50-.Ltmp39, $4  }
0x2fc: {  	_ =	swait.ge [sflag:s0], $0x2020  }
0x2fd: {  	[sflag:s0] =	ssyncset.done $0x0  }
0x2fe: {  	s4 =	simm.s32 $0xE308;
	s3 =	simm.s32 $0x8;
	[sflag:s0] =	ssyncadd.s32 $0xFFFFDFE0  }
0x2ff: {  	s5 =	simm.s32 $0xE388;
	s6 =	simm.s32 $0x0;
	[sflag:s3] =	ssyncpa.u1 $0x0  }
.LBB2_58:
0x300: {  	s7 =	sand.u32 $0x1FFFF8, s0;
	s30 =	sadd.s32 $0x80, s0  }
0x301: {  	s8 =	sand.u32 $0x7, s0;
	s7 =	sadd.s32 s1, s7;
	s0 =	sand.u32 $0x3FFFF8, s30  }
0x302: {  	[tilespmem:s4], [sflag:$0x8] =	stream.linear.gather [hbm4b:s7+s8], $0x80, $0x38;
	[tilespmem:$0x1E678] =	vst v63  }
0x303: {  	s0 =	sadd.s32 s1, s0  }
0x304: {  	[tilespmem:s5], [sflag:$0x8] =	stream.linear.gather [hbm4b:s0+s8], $0x80, $0x38;
	[tilespmem:$0x1E678] =	vst v63  }
0x305: {  	_ =	swait.ge [sflag:s3], $0x100  }
0x306: {  	[sflag:s3] =	ssyncset.done $0x0  }
0x307: {  	s0 =	sshll.u32 s6, $0xA;
	[sflag:s3] =	ssyncadd.s32 $0xFFFFFF00  }
0x308: {  	s31 =	sshrl.u32 s0, $0x2;
	v1 =	vld [tilespmem:$0xE308]  }
0x309: {  	v2 =	vld [tilespmem:s31+$0xE438];
	_ =	sdelay $0x4  }
0x30a: {  	v1 =	vmax.f32 v1, v2  }
0x30b: {  	v2 =	vld [tilespmem:s31+$0xE448];
	[tilespmem:s31+$0xE438] =	vst v1  }
0x30c: {  	v1 =	vld [tilespmem:$0xE318];
	_ =	sdelay $0x4  }
0x30d: {  	v1 =	vmax.f32 v1, v2  }
0x30e: {  	v2 =	vld [tilespmem:s31+$0xE458];
	[tilespmem:s31+$0xE448] =	vst v1  }
0x30f: {  	v1 =	vld [tilespmem:$0xE328];
	_ =	sdelay $0x4  }
0x310: {  	v1 =	vmax.f32 v1, v2  }
0x311: {  	v2 =	vld [tilespmem:s31+$0xE468];
	[tilespmem:s31+$0xE458] =	vst v1  }
0x312: {  	v1 =	vld [tilespmem:$0xE338];
	_ =	sdelay $0x4  }
0x313: {  	v1 =	vmax.f32 v1, v2  }
0x314: {  	v2 =	vld [tilespmem:s31+$0xE478];
	[tilespmem:s31+$0xE468] =	vst v1  }
0x315: {  	v1 =	vld [tilespmem:$0xE348];
	_ =	sdelay $0x4  }
0x316: {  	v1 =	vmax.f32 v1, v2  }
0x317: {  	v2 =	vld [tilespmem:s31+$0xE488];
	[tilespmem:s31+$0xE478] =	vst v1  }
0x318: {  	v1 =	vld [tilespmem:$0xE358];
	_ =	sdelay $0x4  }
0x319: {  	v1 =	vmax.f32 v1, v2  }
0x31a: {  	v2 =	vld [tilespmem:s31+$0xE498];
	[tilespmem:s31+$0xE488] =	vst v1  }
0x31b: {  	v1 =	vld [tilespmem:$0xE368];
	_ =	sdelay $0x4  }
0x31c: {  	v1 =	vmax.f32 v1, v2  }
0x31d: {  	v2 =	vld [tilespmem:s31+$0xE4A8];
	[tilespmem:s31+$0xE498] =	vst v1  }
0x31e: {  	v1 =	vld [tilespmem:$0xE378];
	_ =	sdelay $0x4  }
0x31f: {  	v1 =	vmax.f32 v1, v2  }
0x320: {  	v2 =	vld [tilespmem:s31+$0xE4B8];
	[tilespmem:s31+$0xE4A8] =	vst v1  }
0x321: {  	v1 =	vld [tilespmem:$0xE388];
	_ =	sdelay $0x4  }
0x322: {  	v1 =	vmax.f32 v1, v2  }
0x323: {  	v2 =	vld [tilespmem:s31+$0xE4C8];
	[tilespmem:s31+$0xE4B8] =	vst v1  }
0x324: {  	v1 =	vld [tilespmem:$0xE398];
	_ =	sdelay $0x4  }
0x325: {  	v1 =	vmax.f32 v1, v2  }
0x326: {  	v2 =	vld [tilespmem:s31+$0xE4D8];
	[tilespmem:s31+$0xE4C8] =	vst v1  }
0x327: {  	v1 =	vld [tilespmem:$0xE3A8];
	_ =	sdelay $0x4  }
0x328: {  	v1 =	vmax.f32 v1, v2  }
0x329: {  	v2 =	vld [tilespmem:s31+$0xE4E8];
	[tilespmem:s31+$0xE4D8] =	vst v1  }
0x32a: {  	v1 =	vld [tilespmem:$0xE3B8];
	_ =	sdelay $0x4  }
0x32b: {  	v1 =	vmax.f32 v1, v2  }
0x32c: {  	v2 =	vld [tilespmem:s31+$0xE4F8];
	[tilespmem:s31+$0xE4E8] =	vst v1  }
0x32d: {  	v1 =	vld [tilespmem:$0xE3C8];
	_ =	sdelay $0x4  }
0x32e: {  	v1 =	vmax.f32 v1, v2  }
0x32f: {  	v2 =	vld [tilespmem:s31+$0xE508];
	[tilespmem:s31+$0xE4F8] =	vst v1  }
0x330: {  	v1 =	vld [tilespmem:$0xE3D8];
	_ =	sdelay $0x4  }
0x331: {  	v1 =	vmax.f32 v1, v2  }
0x332: {  	v2 =	vld [tilespmem:s31+$0xE518];
	[tilespmem:s31+$0xE508] =	vst v1  }
0x333: {  	v1 =	vld [tilespmem:$0xE3E8];
	_ =	sdelay $0x4  }
0x334: {  	v1 =	vmax.f32 v1, v2  }
0x335: {  	v2 =	vld [tilespmem:s31+$0xE528];
	[tilespmem:s31+$0xE518] =	vst v1  }
0x336: {  	v1 =	vld [tilespmem:$0xE3F8];
	_ =	sdelay $0x4  }
0x337: {  	v1 =	vmax.f32 v1, v2  }
0x338: {  	[tilespmem:s31+$0xE528] =	vst v1  }
.LBB2_59:
0x339: {  	[tilespmem:s2+$0xE418] =	vst.msk $0x1, v0;
	s0 =	sshrl.u32 s0, $0x2  }
0x33a: {  	v0 =	vld [tilespmem:s0+$0xE438];
	_ =	sdelay $0x2  }
0x33b: {  	s7 =	sshll.u32 s2, $0xA  }
0x33c: {  	s7 =	sshra.s32 s7, $0x2  }
0x33d: {  	[tilespmem:s7+$0xE438] =	vst v0  }
0x33e: {  	v0 =	vld [tilespmem:s0+$0xE448];
	_ =	sdelay $0x4  }
0x33f: {  	[tilespmem:s7+$0xE448] =	vst v0  }
0x340: {  	v0 =	vld [tilespmem:s0+$0xE458];
	_ =	sdelay $0x4  }
0x341: {  	[tilespmem:s7+$0xE458] =	vst v0  }
0x342: {  	v0 =	vld [tilespmem:s0+$0xE468];
	_ =	sdelay $0x4  }
0x343: {  	[tilespmem:s7+$0xE468] =	vst v0  }
0x344: {  	v0 =	vld [tilespmem:s0+$0xE478];
	_ =	sdelay $0x4  }
0x345: {  	[tilespmem:s7+$0xE478] =	vst v0  }
0x346: {  	v0 =	vld [tilespmem:s0+$0xE488];
	_ =	sdelay $0x4  }
0x347: {  	[tilespmem:s7+$0xE488] =	vst v0  }
0x348: {  	v0 =	vld [tilespmem:s0+$0xE498];
	_ =	sdelay $0x4  }
0x349: {  	[tilespmem:s7+$0xE498] =	vst v0  }
0x34a: {  	v0 =	vld [tilespmem:s0+$0xE4A8];
	_ =	sdelay $0x4  }
0x34b: {  	[tilespmem:s7+$0xE4A8] =	vst v0  }
0x34c: {  	v0 =	vld [tilespmem:s0+$0xE4B8];
	_ =	sdelay $0x4  }
0x34d: {  	[tilespmem:s7+$0xE4B8] =	vst v0  }
0x34e: {  	v0 =	vld [tilespmem:s0+$0xE4C8];
	_ =	sdelay $0x4  }
0x34f: {  	[tilespmem:s7+$0xE4C8] =	vst v0  }
0x350: {  	v0 =	vld [tilespmem:s0+$0xE4D8];
	_ =	sdelay $0x4  }
0x351: {  	[tilespmem:s7+$0xE4D8] =	vst v0  }
0x352: {  	v0 =	vld [tilespmem:s0+$0xE4E8];
	_ =	sdelay $0x4  }
0x353: {  	[tilespmem:s7+$0xE4E8] =	vst v0  }
0x354: {  	v0 =	vld [tilespmem:s0+$0xE4F8];
	_ =	sdelay $0x4  }
0x355: {  	[tilespmem:s7+$0xE4F8] =	vst v0  }
0x356: {  	v0 =	vld [tilespmem:s0+$0xE508];
	_ =	sdelay $0x4  }
0x357: {  	[tilespmem:s7+$0xE508] =	vst v0  }
0x358: {  	v0 =	vld [tilespmem:s0+$0xE518];
	_ =	sdelay $0x4  }
0x359: {  	[tilespmem:s7+$0xE518] =	vst v0  }
0x35a: {  	v0 =	vld [tilespmem:s0+$0xE528];
	_ =	sdelay $0x4  }
0x35b: {  	s2 =	sadd.s32 $0x1, s2;
	[tilespmem:s7+$0xE528] =	vst v0  }
.LBB2_60:
0x35c: {  	s6 =	sadd.s32 $0x1, s6  }
0x35d: {  	p1 =	sne.s32 s6, $0x20  }
.Ltmp40:
0x35e: {  	_ = 	snop;
	(pc) =	sbr.rel @!p1 .LBB2_61-.Ltmp40, $1  }
0x35f: {  	_ =	sdelay $0x3  }
.LBB2_50:
0x360: {  	v0 =	vld.msk [tilespmem:s6+$0xE418], $0x1;
	_ =	sdelay $0x4  }
0x361: {  	(v2sf) =	vpush v0, $0x0;
	_ =	sdelay $0xe  }
0x362: {  	s0 =	spop (v2sf)  }
0x363: {  	p1 =	seq.s32 s0, $0xFFFFFFFF  }
.Ltmp41:
0x364: {  	_ = 	snop;
	(pc) =	sbr.rel @p1 .LBB2_60-.Ltmp41, $1  }
0x365: {  	_ =	sdelay $0x3  }
0x366: {  	p1 =	slt.s32 s2, $0x1  }
.Ltmp42:
0x367: {  	_ = 	snop;
	(pc) =	sbr.rel @p1 .LBB2_56-.Ltmp42, $1  }
0x368: {  	_ =	sdelay $0x3  }
0x369: {  	s7 =	simm.s32 $0xE418;
	p1 =	por $0x0, $0x0  }
0x36a: {  	v1 =	vld.msk @!p1 [tilespmem:s7+$0x0], $0x1;
	_ =	sdelay $0x4  }
0x36b: {  	(v2sf) =	vpush @!p1 v1, $0x0;
	_ =	sdelay $0xd  }
0x36c: {  	p3 =	sne.s32 s2, $0x1  }
.Ltmp43:
0x36d: {  	s8 =	spop @!p1 (v2sf);
	(pc) =	sbr.rel @!p3 .LBB2_54-.Ltmp43, $4  }
0x36e: {  	p2 =	seq.s32 @!p1 s0, s8  }
0x36f: {  	s8 =	simm.s32 $0x0;
	p2 =	por !p2, p1  }
0x370: {  	s10 =	simm.s32 $0xFFFFFFFF;
	s8 =	simm.s32 @p2 $0xFFFFFFFF  }
0x371: {  	s9 =	simm.s32 $0x1;
	s8 =	smov.u32 @p1 s10  }
.LBB2_53:
0x372: {  	s10 =	smov.u32 s8;
	p1 =	sne.s32 s8, $0xFFFFFFFF  }
0x373: {  	s7 =	sadd.s32 $0x1, s7;
	s8 =	smov.u32 s9;
	s9 =	sadd.s32 $0x1, s9  }
0x374: {  	p2 =	sne.s32 s2, s9;
	v1 =	vld.msk @!p1 [tilespmem:s7+$0x0], $0x1;
	_ =	sdelay $0x4  }
0x375: {  	(v2sf) =	vpush @!p1 v1, $0x0;
	_ =	sdelay $0xe  }
.Ltmp44:
0x376: {  	s11 =	spop @!p1 (v2sf);
	(pc) =	sbr.rel @p2 .LBB2_53-.Ltmp44, $4  }
0x377: {  	p3 =	seq.s32 @!p1 s0, s11  }
0x378: {  	p3 =	por !p3, p1  }
0x379: {  	s8 =	simm.s32 @p3 $0xFFFFFFFF  }
0x37a: {  	s8 =	smov.u32 @p1 s10  }
.LBB2_54:
0x37b: {  	p1 =	seq.s32 s8, $0xFFFFFFFF  }
.Ltmp45:
0x37c: {  	_ = 	snop;
	(pc) =	sbr.rel @p1 .LBB2_56-.Ltmp45, $1  }
0x37d: {  	_ =	sdelay $0x3  }
0x37e: {  	s0 =	sshll.u32 s6, $0x8  }
0x37f: {  	s31 =	sshll.u32 s8, $0xA;
	s7 =	sand.u32 $0x3FFFFF00, s0  }
0x380: {  	s0 =	sshra.s32 s31, $0x2;
	v0 =	vld [tilespmem:s7+$0xE438]  }
0x381: {  	v1 =	vld [tilespmem:s0+$0xE438];
	_ =	sdelay $0x4  }
0x382: {  	v0 =	vmax.f32 v0, v1  }
0x383: {  	v49 =	vld [tilespmem:s0+$0xE448];
	[tilespmem:s0+$0xE438] =	vst v0  }
0x384: {  	v0 =	vld [tilespmem:s7+$0xE448];
	_ =	sdelay $0x4  }
0x385: {  	v0 =	vmax.f32 v0, v49  }
0x386: {  	v50 =	vld [tilespmem:s0+$0xE458];
	[tilespmem:s0+$0xE448] =	vst v0  }
0x387: {  	v0 =	vld [tilespmem:s7+$0xE458];
	_ =	sdelay $0x4  }
0x388: {  	v0 =	vmax.f32 v0, v50  }
0x389: {  	v51 =	vld [tilespmem:s0+$0xE468];
	[tilespmem:s0+$0xE458] =	vst v0  }
0x38a: {  	v0 =	vld [tilespmem:s7+$0xE468];
	_ =	sdelay $0x4  }
0x38b: {  	v0 =	vmax.f32 v0, v51  }
0x38c: {  	v52 =	vld [tilespmem:s0+$0xE478];
	[tilespmem:s0+$0xE468] =	vst v0  }
0x38d: {  	v0 =	vld [tilespmem:s7+$0xE478];
	_ =	sdelay $0x4  }
0x38e: {  	v0 =	vmax.f32 v0, v52  }
0x38f: {  	v53 =	vld [tilespmem:s0+$0xE488];
	[tilespmem:s0+$0xE478] =	vst v0  }
0x390: {  	v0 =	vld [tilespmem:s7+$0xE488];
	_ =	sdelay $0x4  }
0x391: {  	v0 =	vmax.f32 v0, v53  }
0x392: {  	v54 =	vld [tilespmem:s0+$0xE498];
	[tilespmem:s0+$0xE488] =	vst v0  }
0x393: {  	v0 =	vld [tilespmem:s7+$0xE498];
	_ =	sdelay $0x4  }
0x394: {  	v0 =	vmax.f32 v0, v54  }
0x395: {  	v55 =	vld [tilespmem:s0+$0xE4A8];
	[tilespmem:s0+$0xE498] =	vst v0  }
0x396: {  	v0 =	vld [tilespmem:s7+$0xE4A8];
	_ =	sdelay $0x4  }
0x397: {  	v0 =	vmax.f32 v0, v55  }
0x398: {  	v56 =	vld [tilespmem:s0+$0xE4B8];
	[tilespmem:s0+$0xE4A8] =	vst v0  }
0x399: {  	v0 =	vld [tilespmem:s7+$0xE4B8];
	_ =	sdelay $0x4  }
0x39a: {  	v0 =	vmax.f32 v0, v56  }
0x39b: {  	v57 =	vld [tilespmem:s0+$0xE4C8];
	[tilespmem:s0+$0xE4B8] =	vst v0  }
0x39c: {  	v0 =	vld [tilespmem:s7+$0xE4C8];
	_ =	sdelay $0x4  }
0x39d: {  	v0 =	vmax.f32 v0, v57  }
0x39e: {  	v58 =	vld [tilespmem:s0+$0xE4D8];
	[tilespmem:s0+$0xE4C8] =	vst v0  }
0x39f: {  	v0 =	vld [tilespmem:s7+$0xE4D8];
	_ =	sdelay $0x4  }
0x3a0: {  	v0 =	vmax.f32 v0, v58  }
0x3a1: {  	v59 =	vld [tilespmem:s0+$0xE4E8];
	[tilespmem:s0+$0xE4D8] =	vst v0  }
0x3a2: {  	v0 =	vld [tilespmem:s7+$0xE4E8];
	_ =	sdelay $0x4  }
0x3a3: {  	v0 =	vmax.f32 v0, v59  }
0x3a4: {  	v60 =	vld [tilespmem:s0+$0xE4F8];
	[tilespmem:s0+$0xE4E8] =	vst v0  }
0x3a5: {  	v0 =	vld [tilespmem:s7+$0xE4F8];
	_ =	sdelay $0x4  }
0x3a6: {  	v0 =	vmax.f32 v0, v60  }
0x3a7: {  	v61 =	vld [tilespmem:s0+$0xE508];
	[tilespmem:s0+$0xE4F8] =	vst v0  }
0x3a8: {  	v0 =	vld [tilespmem:s7+$0xE508];
	_ =	sdelay $0x4  }
0x3a9: {  	v0 =	vmax.f32 v0, v61  }
0x3aa: {  	v62 =	vld [tilespmem:s0+$0xE518];
	[tilespmem:s0+$0xE508] =	vst v0  }
0x3ab: {  	v0 =	vld [tilespmem:s7+$0xE518];
	_ =	sdelay $0x4  }
0x3ac: {  	v0 =	vmax.f32 v0, v62  }
0x3ad: {  	v63 =	vld [tilespmem:s0+$0xE528];
	[tilespmem:s0+$0xE518] =	vst v0  }
0x3ae: {  	v0 =	vld [tilespmem:s7+$0xE528];
	_ =	sdelay $0x1  }
.Ltmp46:
0x3af: {  	_ = 	snop;
	(pc) =	sbr.rel .LBB2_60-.Ltmp46, $3  }
0x3b0: {  	_ =	sdelay $0x1  }
0x3b1: {  	v0 =	vmax.f32 v0, v63  }
0x3b2: {  	[tilespmem:s0+$0xE528] =	vst v0  }
.LBB2_56:
0x3b3: {  	p1 =	slt.u32 s0, $0x186971  }
.Ltmp47:
0x3b4: {  	_ = 	snop;
	(pc) =	sbr.rel @p1 .LBB2_58-.Ltmp47, $1  }
0x3b5: {  	_ =	sdelay $0x3  }
.Ltmp48:
0x3b6: {  	(pc) =	sbr.rel .LBB2_59-.Ltmp48, $2  }
0x3b7: {  	_ =	sdelay $0x2  }
0x3b8: {  	s0 =	sshll.u32 s6, $0xA  }
.LBB2_61:
0x3b9: {  	p1 =	slt.s32 s2, $0x1  }
.Ltmp49:
0x3ba: {  	_ = 	snop;
	(pc) =	sbr.rel @p1 .LBB2_65-.Ltmp49, $3  }
0x3bb: {  	_ =	sdelay $0x1  }
0x3bc: {  	s0 =	simm.s32 $0x8  }
0x3bd: {  	s4 =	simm.s32 $0x0;
	[sflag:s0] =	ssyncpa.u1 $0x1  }
0x3be: {  	s0 =	simm.s32 $0xE418  }
0x3bf: {  	v0 =	vld.msk [tilespmem:s0+$0x0], $0x1;
	_ =	sdelay $0x4  }
0x3c0: {  	(v2sf) =	vpush v0, $0x0;
	_ =	sdelay $0xe  }
0x3c1: {  	s0 =	sadd.s32 $0xFFFFFFFF, s2;
	s3 =	spop (v2sf)  }
0x3c2: {  	s6 =	simm.s32 $0xE438;
	p1 =	sne.s32 s0, $0x0;
	p2 =	sgt.u32 s3, $0x186970  }
.Ltmp50:
0x3c3: {  	s2 =	simm.s32 $0xE538;
	s5 =	sand.u32 @!p2 $0x1FFFF8, s3;
	(pc) =	sbr.rel @!p1 .LBB2_64-.Ltmp50, $4  }
0x3c4: {  	s7 =	sadd.s32 @!p2 $0x80, s3;
	s4 =	simm.s32 @!p2 $0x400;
	s8 =	sadd.s32 @!p2 s1, s5  }
0x3c5: {  	s5 =	sand.u32 @!p2 $0x7, s3;
	s3 =	simm.s32 $0xE419;
	s7 =	sand.u32 @!p2 $0x3FFFF8, s7  }
0x3c6: {  	[hbm4b:s8+s5] =	stream.linear.scatter @!p2 [tilespmem:s6], [sflag:$0x7], $0x80, $0x38;
	[tilespmem:$0x1E678] =	vst v63  }
0x3c7: {  	s4 =	sadd.s32 $0x0, s4;
	s6 =	simm.s32 @!p2 $0xE4B8;
	s7 =	sadd.s32 @!p2 s1, s7  }
.LBB2_63:
0x3c8: {  	[hbm4b:s7+s5] =	stream.linear.scatter @!p2 [tilespmem:s6], [sflag:$0x7], $0x80, $0x38;
	[tilespmem:$0x1E678] =	vst v63  }
0x3c9: {  	s0 =	sadd.s32 $0xFFFFFFFF, s0;
	s6 =	smov.u32 s2;
	v0 =	vld.msk [tilespmem:s3+$0x0], $0x1  }
0x3ca: {  	p1 =	sne.s32 s0, $0x0;
	_ =	sdelay $0x3  }
0x3cb: {  	(v2sf) =	vpush v0, $0x0;
	_ =	sdelay $0xe  }
0x3cc: {  	s2 =	sadd.s32 $0x100, s2;
	s8 =	simm.s32 $0x0;
	s5 =	spop (v2sf)  }
.Ltmp51:
0x3cd: {  	s3 =	sadd.s32 $0x1, s3;
	p2 =	sgt.u32 s5, $0x186970;
	(pc) =	sbr.rel @p1 .LBB2_63-.Ltmp51, $4  }
0x3ce: {  	s8 =	simm.s32 @!p2 $0x400;
	s7 =	sand.u32 @!p2 $0x1FFFF8, s5;
	s9 =	sadd.s32 @!p2 $0x80, s5  }
0x3cf: {  	s5 =	sand.u32 @!p2 $0x7, s5;
	s7 =	sadd.s32 @!p2 s1, s7;
	s9 =	sand.u32 @!p2 $0x3FFFF8, s9  }
0x3d0: {  	[hbm4b:s7+s5] =	stream.linear.scatter @!p2 [tilespmem:s6], [sflag:$0x7], $0x80, $0x38;
	[tilespmem:$0x1E678] =	vst v63  }
0x3d1: {  	s4 =	sadd.s32 s4, s8;
	s6 =	sadd.s32 @!p2 $0x80, s6;
	s7 =	sadd.s32 @!p2 s1, s9  }
.LBB2_64:
0x3d2: {  	[hbm4b:s7+s5] =	stream.linear.scatter @!p2 [tilespmem:s6], [sflag:$0x7], $0x80, $0x38;
	[tilespmem:$0x1E678] =	vst v63  }
0x3d3: {  	s4 =	sshrl.u32 s4, $0x2  }
.LBB2_65:
0x3d4: {  	s0 =	simm.s32 $0x7  }
0x3d5: {  	_ =	swait.ge [sflag:s0], s4  }
0x3d6: {  	s1 =	ssub.s32 $0x0, s4;
	[sflag:s0] =	ssyncset.done $0x0  }
0x3d7: {  	[sflag:s0] =	ssyncadd.s32 s1  }
0x3d8: {  	[sflag:s0] =	ssyncpa.u1 $0x1  }
.LBB2_66:
0x3d9: {  	_ =	sfence;
	s0 =	simm.s32 $0x1  }
0x3da: {  	[sflag:s0] =	ssyncpa.u1 $0x1  }
0x3db: {  	_ =	strace $0x9000004A  }
0x3dc: {  	[bflag:$0x2] =	sbarrier.arrive $0xFFFF  }
0x3dd: {  	s0 =	rddreg [dreg:$0x4]  }
0x3de: {  	s0 =	sadd.s32 @!p0 $0x100000, s0  }
0x3df: {  	[sflag:s0] =	ssyncadd.tile.s32 @!p0 $0x1;
	_ =	shalt  }
.Lfunc_end2:
_tile_overlayer_lowered:
.L_overlay_start_2:
0x3e0: {  	(tag) =	ssettag $0x2  }
0x3e1: {  	s0 =	rddreg [dreg:$0x0];
	s2 =	stileid.u32  }
0x3e2: {  	s1 =	rddreg [dreg:$0x1];
	p0 =	sne.s32 s2, $0x0  }
0x3e3: {  	s3 =	rddreg [dreg:$0x2];
	[bflag:$0x3] =	sbarrier.arrive $0xFFFF;
	s2 =	simm.s32 @!p0 $0x1C01  }
0x3e4: {  	[timem:s3], [sflag:s2] =	dma.local @!p0 [hbm:s0], s1  }
0x3e5: {  	s0 =	simm.s32 @!p0 $0x1  }
0x3e6: {  	_ =	swait.ge @!p0 [sflag:s0], s1  }
0x3e7: {  	s1 =	ssub.s32 @!p0 $0x0, s1;
	[sflag:s0] =	ssyncset.done @!p0 $0x0  }
0x3e8: {  	[sflag:s0] =	ssyncadd.s32 @!p0 s1  }
0x3e9: {  	[bflag:$0x3] =	sbarrier.arrive $0xFFFF  }
0x3ea: {  	_ =	shalt  }

// kernel: scatter_offload_async_start
scs
__scs_entry_jumppad:
0x0: {  	(pc) =	sbr.rel $0x88, $3  }
0x1: {  	(tag) =	ssettag $0x0;
	lr =	simm.s32 $0x1  }
0x2: {  	[smem:$0x3F90] =	sst lr;
	_ =	strace $0xD0000000  }
0x3: {  	_ = 	snop  }
0x4: {  	_ = 	snop  }
0x5: {  	_ = 	snop  }
0x6: {  	_ = 	snop  }
0x7: {  	_ = 	snop  }
__scs_overlays_trampoline_lowered:
0x8: {  	[smem:$0x3F9F] =	sst s0  }
0x9: {  	[smem:$0x3FA0] =	sst s1  }
0xa: {  	[smem:$0x3FA1] =	sst s2  }
0xb: {  	[smem:$0x3FA2] =	sst s3  }
0xc: {  	[smem:$0x3FA3] =	sst s4  }
0xd: {  	[smem:$0x3FA4] =	sst s5  }
0xe: {  	[smem:$0x3FA5] =	sst s6  }
0xf: {  	[smem:$0x3FA6] =	sst s7  }
0x10: {  	[smem:$0x3FA7] =	sst s8  }
0x11: {  	[smem:$0x3FA8] =	sst s9;
	s0 =	simm.s32 @!p0 $0x0  }
0x12: {  	s1 =	sld [smem:$0x3F8E];
	s0 =	simm.s32 @p0 $0x1  }
0x13: {  	[smem:$0x3FA9] =	sst s0;
	s0 =	simm.s32 @!p1 $0x0  }
0x14: {  	s2 =	sld [smem:$0x3F8D];
	s0 =	simm.s32 @p1 $0x1  }
0x15: {  	[smem:$0x3FAA] =	sst s0;
	s0 =	simm.s32 @!p2 $0x0  }
0x16: {  	s3 =	sld [smem:$0x3FDB];
	s0 =	simm.s32 @p2 $0x1  }
0x17: {  	s4 =	simm.s32 $0x1BF5;
	[smem:$0x3FAC] =	sst s0  }
0x18: {  	s0 =	sld [smem:$0x3F8F];
	_ =	swait.ge [sflag:s4], $0x0  }
0x19: {  	s7 =	sld [smem:$0x3F90]  }
0x1a: {  	s8 =	sadd.s32 $0xFFFFE003, lr  }
0x1b: {  	s9 =	sadd.s32 $0xFFFFFEF7, lr;
	s5 =	simm.s32 $0xFFFFFFFF;
	p2 =	slt.u32 s8, $0xFFFFF086  }
0x1c: {  	p1 =	slt.u32 s9, $0xF7A;
	s5 =	simm.s32 @!p2 $0x0  }
0x1d: {  	s5 =	simm.s32 @p1 $0x1;
	p0 =	seq.s32 s7, s2  }
0x1e: {  	s7 =	smul.u32 @!p0 $0xF7A, s2;
	p2 =	seq.s32 @!p0 s5, $0x0  }
0x1f: {  	s9 =	smul.u32 $0xF7A, s1;
	s8 =	simm.s32 @!p0 $0x1BF5;
	p2 =	por !p2, p0  }
0x20: {  	[sflag:s8] =	ssyncset.s32 @!p0 $0xFFFFF086;
	s6 =	sadd.s32 @!p0 s3, s7;
	s7 =	simm.s32 @!p0 $0x108  }
0x21: {  	s3 =	sadd.s32 s3, s9;
	s6 =	sadd.s32 @!p0 $0x88, s6;
	s7 =	simm.s32 @p2 $0x1082  }
0x22: {  	[simem:s7], [sflag:s8] =	dma.local @!p0 [hbm:s6], $0xF7A  }
0x23: {  	s9 =	sor.u32 $0xD0000000, s2;
	s6 =	simm.s32 $0x108;
	_ =	swait.ge @!p0 [sflag:s8], $0x0  }
0x24: {  	s3 =	sadd.s32 $0x88, s3;
	s6 =	simm.s32 @!p1 $0x1082;
	[sflag:s4] =	ssyncset.s32 $0xFFFFF086  }
0x25: {  	[simem:s6], [sflag:s4] =	dma.local [hbm:s3], $0xF7A  }
0x26: {  	[smem:$0x3F90] =	sst s1;
	(tag) =	ssettag s2;
	_ =	strace s9  }
0x27: {  	s1 =	sld [smem:$0x3FA0]  }
0x28: {  	s2 =	sld [smem:$0x3FA1]  }
0x29: {  	s4 =	sld [smem:$0x3FA3]  }
0x2a: {  	p0 =	seq.s32 s5, $0x0;
	s5 =	sld [smem:$0x3FA4]  }
0x2b: {  	s6 =	sld [smem:$0x3FA5]  }
0x2c: {  	s7 =	sld [smem:$0x3FA6]  }
0x2d: {  	s3 =	simm.s32 $0x108;
	s8 =	sld [smem:$0x3FA7]  }
0x2e: {  	s3 =	simm.s32 @!p0 $0x1082;
	s9 =	sld [smem:$0x3FA8]  }
0x2f: {  	lr =	sadd.s32 s0, s3;
	s0 =	sld [smem:$0x3F9F]  }
0x30: {  	s3 =	sld [smem:$0x3FA2]  }
0x31: {  	[smem:$0x3FAB] =	sst s10  }
0x32: {  	s10 =	sld [smem:$0x3FA9];
	_ =	sdelay $0x3  }
0x33: {  	p0 =	seq.s32 s10, $0x1;
	s10 =	sld [smem:$0x3FAB];
	_ =	sdelay $0x3  }
0x34: {  	[smem:$0x3FAB] =	sst s10  }
0x35: {  	s10 =	sld [smem:$0x3FAA];
	_ =	sdelay $0x3  }
0x36: {  	p1 =	seq.s32 s10, $0x1;
	s10 =	sld [smem:$0x3FAB];
	_ =	sdelay $0x3  }
0x37: {  	[smem:$0x3FAB] =	sst s10  }
0x38: {  	s10 =	sld [smem:$0x3FAC]  }
0x39: {  	_ = 	snop;
	(pc) =	sbr.ind lr, $3  }
0x3a: {  	_ = 	snop  }
0x3b: {  	_ = 	snop  }
0x3c: {  	p2 =	seq.s32 s10, $0x1;
	s10 =	sld [smem:$0x3FAB]  }
0x3d: {  	_ =	shalt  }
0x3e: {  	_ =	shalt  }
0x3f: {  	_ =	shalt  }
0x40: {  	_ =	shalt  }
0x41: {  	_ =	shalt  }
0x42: {  	_ =	shalt  }
0x43: {  	_ =	shalt  }
0x44: {  	_ =	shalt  }
0x45: {  	_ =	shalt  }
0x46: {  	_ =	shalt  }
0x47: {  	_ =	shalt  }
0x48: {  	_ =	shalt  }
0x49: {  	_ =	shalt  }
0x4a: {  	_ =	shalt  }
0x4b: {  	_ =	shalt  }
0x4c: {  	_ =	shalt  }
0x4d: {  	_ =	shalt  }
0x4e: {  	_ =	shalt  }
0x4f: {  	_ =	shalt  }
0x50: {  	_ =	shalt  }
0x51: {  	_ =	shalt  }
0x52: {  	_ =	shalt  }
0x53: {  	_ =	shalt  }
0x54: {  	_ =	shalt  }
0x55: {  	_ =	shalt  }
0x56: {  	_ =	shalt  }
0x57: {  	_ =	shalt  }
0x58: {  	_ =	shalt  }
0x59: {  	_ =	shalt  }
0x5a: {  	_ =	shalt  }
0x5b: {  	_ =	shalt  }
0x5c: {  	_ =	shalt  }
0x5d: {  	_ =	shalt  }
0x5e: {  	_ =	shalt  }
0x5f: {  	_ =	shalt  }
0x60: {  	_ =	shalt  }
0x61: {  	_ =	shalt  }
0x62: {  	_ =	shalt  }
0x63: {  	_ =	shalt  }
0x64: {  	_ =	shalt  }
0x65: {  	_ =	shalt  }
0x66: {  	_ =	shalt  }
0x67: {  	_ =	shalt  }
0x68: {  	_ =	shalt  }
0x69: {  	_ =	shalt  }
0x6a: {  	_ =	shalt  }
0x6b: {  	_ =	shalt  }
0x6c: {  	_ =	shalt  }
0x6d: {  	_ =	shalt  }
0x6e: {  	_ =	shalt  }
0x6f: {  	_ =	shalt  }
0x70: {  	_ =	shalt  }
0x71: {  	_ =	shalt  }
0x72: {  	_ =	shalt  }
0x73: {  	_ =	shalt  }
0x74: {  	_ =	shalt  }
0x75: {  	_ =	shalt  }
0x76: {  	_ =	shalt  }
0x77: {  	_ =	shalt  }
0x78: {  	_ =	shalt  }
0x79: {  	_ =	shalt  }
0x7a: {  	_ =	shalt  }
0x7b: {  	_ =	shalt  }
0x7c: {  	_ =	shalt  }
0x7d: {  	_ =	shalt  }
0x7e: {  	_ =	shalt  }
0x7f: {  	_ =	shalt  }
0x80: {  	_ =	shalt  }
0x81: {  	_ =	shalt  }
0x82: {  	_ =	shalt  }
0x83: {  	_ =	shalt  }
0x84: {  	_ =	shalt  }
0x85: {  	_ =	shalt  }
0x86: {  	_ =	shalt  }
0x87: {  	_ =	shalt  }
.Lfunc_end0:
.L_simem_size_0:
called_computation_lowered:
.L_overlay_start_0:
0x88: {  	s2 =	sld [smem:$0x3FD9]  }
0x89: {  	s3 =	sld [smem:$0x3FFE];
	_ =	sdelay $0x1  }
0x8a: {  	s1 =	srdreg.scid  }
0x8b: {  	s0 =	sand.u32 $0x1, s1  }
0x8c: {  	s16 =	sshll.u32 s0, $0xA;
	s2 =	sadd.s32 s3, s2  }
0x8d: {  	s2 =	sadd.s32 s2, s16  }
0x8e: {  	[smem:$0x3FB7] =	sst s2  }
0x8f: {  	_ = 	snop  }
0x90: {  	s2 =	sld [smem:$0x3FD0];
	(tm) =	ssettm $0x1  }
0x91: {  	s17 =	sld [smem:$0x3FFB];
	_ =	sdelay $0x3  }
0x92: {  	_ =	strace s17  }
0x93: {  	s3 =	sld [smem:$0x3FFC];
	_ =	sdelay $0x3  }
0x94: {  	_ =	strace s3  }
0x95: {  	s3 =	sld [smem:$0x3FFD];
	_ =	sdelay $0x3  }
0x96: {  	_ =	strace s3  }
0x97: {  	_ =	strace $0x8FFFFFFF  }
0x98: {  	s18 =	sld [smem:$0x3FDB];
	_ =	sdelay $0x1  }
0x99: {  	s4 =	simm.s32 $_scs_section_size  }
0x9a: {  	s5 =	simm.s32 $_size__tile_overlayer_lowered;
	s6 =	simm.s32 $_tile_overlayer_lowered  }
0x9b: {  	s21 =	simm.s32 $0x1BFF;
	s20 =	sshll.u32 s6, $0x1;
	s3 =	sadd.s32 s4, s18  }
0x9c: {  	s7 =	simm.s32 $0x0;
	s19 =	sshll.u32 s5, $0x1;
	s5 =	sadd.s32 s20, s3  }
0x9d: {  	[timem:s7], [sflag:s21] =	dma.local [hbm:s5], s19  }
0x9e: {  	_ =	swait.ge [sflag:s21], s19  }
0x9f: {  	s4 =	ssub.s32 $0x0, s19;
	[sflag:s21] =	ssyncset.done $0x0  }
0xa0: {  	[sflag:s21] =	ssyncadd.s32 s4;
	_ =	sdelay $0x1  }
0xa1: {  	s22 =	simm.s32 $0x1B8B  }
0xa2: {  	_ =	swait.ge [sflag:s22], $0x1  }
0xa3: {  	[sflag:s22] =	ssyncset.done $0x0  }
0xa4: {  	s23 =	sld [smem:$0x3FFE];
	[sflag:s22] =	ssyncadd.s32 $0xFFFFFFFF  }
0xa5: {  	s25 =	simm.s32 $0x1B8E;
	s24 =	sld [smem:$0x0]  }
0xa6: {  	s26 =	simm.s32 $execute0_lowered;
	[smem:$0x3FD2] =	sst s25  }
0xa7: {  	s6 =	sshll.u32 s26, $0x1;
	_ =	strace $0x80000046;
	[dreg:$0x1] =	wrdreg $0xFFFFFFFF  }
0xa8: {  	s28 =	simm.s32 $_size_execute0_lowered;
	s3 =	sadd.s32 s3, s6;
	[dreg:$0x0] =	wrdreg $0x0  }
0xa9: {  	s6 =	sshll.u32 s28, $0x1;
	[dreg:$0x2] =	wrdreg s3  }
0xaa: {  	[dreg:$0x3] =	wrdreg s6  }
0xab: {  	[dreg:$0x4] =	wrdreg $0xC0  }
0xac: {  	_ =	task [dreg:s7], $0x5FFFF  }
0xad: {  	[dreg:$0x1] =	wrdreg $0xFFFFFFFF  }
0xae: {  	[dreg:$0x0] =	wrdreg $0x60  }
0xaf: {  	[dreg:$0x2] =	wrdreg s2  }
0xb0: {  	[dreg:$0x3] =	wrdreg s23  }
0xb1: {  	[dreg:$0x4] =	wrdreg s1  }
0xb2: {  	[dreg:$0x5] =	wrdreg s24  }
0xb3: {  	[dreg:$0x6] =	wrdreg $0x9  }
0xb4: {  	_ =	task.clear_ibuf [dreg:s7], $0x7FFFF;
	_ =	strace $0x90000046  }
0xb5: {  	s29 =	simm.s32 $0x9;
	_ =	strace $0x80000048  }
0xb6: {  	_ =	swait.ge [sflag:s29], $0x1  }
0xb7: {  	[sflag:s29] =	ssyncadd.s32 $0xFFFFFFFF  }
0xb8: {  	_ =	strace $0x90000048  }
0xb9: {  	_ =	sfence  }
0xba: {  	s30 =	sld [smem:$0x0];
	_ =	sdelay $0x2  }
0xbb: {  	s31 =	sshll.u32 s1, $0xD;
	s1 =	sshrl.u32 s1, $0x2  }
0xbc: {  	s3 =	sand.u32 $0x4000, s31;
	s1 =	sadd.s32 s1, s30  }
0xbd: {  	s0 =	sor.u32 s3, s0;
	s1 =	sshll.u32 s1, $0x11  }
0xbe: {  	s0 =	sor.u32 s1, s0  }
0xbf: {  	s0 =	sadd.s32 $0x8F2B, s0  }
0xc0: {  	[sflag:s0] =	ssyncadd.remote.s32 $0x1  }
0xc1: {  	_ =	sfence.sel $0xFFFF  }
0xc2: {  	[dreg:$0x0] =	wrdreg $0xFFFFFFFF;
	(pc) =	sbr.abs _section_cstart, $3  }
0xc3: {  	[dreg:$0x1] =	wrdreg $0xFFFFFFFF  }
0xc4: {  	_ =	task.clear_ibuf [dreg:s7], $0x2FFFF;
	_ =	strace $0x9FFFFFFF  }
0xc5: {  	(tm) =	ssettm $0x7FFFFFFF  }
tec
execute0_lowered:
.L_overlay_start_1:
0x0: {  	(tag) =	ssettag $0x1  }
0x1: {  	s1 =	rddreg [dreg:$0x0]  }
0x2: {  	s2 =	rddreg [dreg:$0x1]  }
0x3: {  	s3 =	rddreg [dreg:$0x2];
	_ =	strace $0x80000047;
	s0 =	simm.s32 $0x1  }
0x4: {  	v0 =	vimm.s32 $0x0;
	[sflag:s0] =	ssyncpa.u1 $0x0;
	s0 =	simm.s32 $0x108  }
0x5: {  	[tilespmem:s0+$0x70] =	vst v0  }
0x6: {  	[tilespmem:s0+$0x60] =	vst v0  }
0x7: {  	[tilespmem:s0+$0x50] =	vst v0  }
0x8: {  	[tilespmem:s0+$0x40] =	vst v0  }
0x9: {  	[tilespmem:s0+$0x30] =	vst v0  }
0xa: {  	s15 =	sadd.s32 $0x2200, s2;
	s6 =	sadd.s32 $0xF44600, s2;
	[tilespmem:s0+$0x20] =	vst v0  }
0xb: {  	s14 =	sadd.s32 $0x11800, s2;
	s5 =	sand.u32 $0x1, s3;
	s3 =	simm.s32 $0x40;
	[tilespmem:s0+$0x10] =	vst v0  }
.LBB2_1:
0xc: {  	s3 =	sadd.s32 $0x40, s3;
	[tilespmem:s0+$0x0] =	vst v0;
	s0 =	sadd.s32 $0x80, s0  }
0xd: {  	p0 =	slt.u32 s3, $0x3C40;
	[tilespmem:s0+$0x70] =	vst v0  }
0xe: {  	[tilespmem:s0+$0x60] =	vst v0  }
.Ltmp0:
0xf: {  	[tilespmem:s0+$0x50] =	vst v0;
	(pc) =	sbr.rel @p0 .LBB2_1-.Ltmp0, $4  }
0x10: {  	[tilespmem:s0+$0x40] =	vst v0  }
0x11: {  	[tilespmem:s0+$0x30] =	vst v0  }
0x12: {  	[tilespmem:s0+$0x20] =	vst v0  }
0x13: {  	[tilespmem:s0+$0x10] =	vst v0  }
0x14: {  	s9 =	stileid.u32  }
0x15: {  	s2 =	smul.u32 $0x41, s9  }
0x16: {  	s3 =	smin.u32 s9, $0x2  }
0x17: {  	s2 =	sadd.s32 s3, s2  }
0x18: {  	p0 =	slt.u32 s9, $0x2;
	s7 =	smul.u32 $0xF0, s2;
	s2 =	simm.s32 $0x3DE0  }
0x19: {  	s2 =	simm.s32 @!p0 $0x3CF0  }
0x1a: {  	s2 =	sadd.s32 s2, s7  }
0x1b: {  	s8 =	smin.u32 s2, $0x3D090  }
0x1c: {  	s2 =	ssub.s32 s8, s7  }
0x1d: {  	p0 =	sgt.s32 s2, $0x0  }
0x1e: {  	s29 =	simm.s32 $0x2;
	s10 =	simm.s32 $0x9;
	s2 =	simm.s32 @!p0 $0x0  }
0x1f: {  	s4 =	simm.s32 $0xA;
	s11 =	simm.s32 $0xB;
	s28 =	smulhi.u32 $0x88888889, s2  }
0x20: {  	[dreg:$0x5] =	wrdreg s5;
	s31 =	smul.u32 $0x7A12, s5;
	s12 =	simm.s32 $0x1  }
0x21: {  	s22 =	simm.s32 $0x0;
	s18 =	simm.s32 $0xC;
	s30 =	sshrl.u32 s28, $0x7  }
0x22: {  	s20 =	simm.s32 $0x0;
	s21 =	simm.s32 $0x0;
	s3 =	smul.u32 $0xF0, s30  }
.Ltmp1:
0x23: {  	[tilespmem:s0+$0x0] =	vst v0;
	v0 =	vimm.s32 $0xFFFFFFFF;
	[sflag:s29] =	ssyncpa.u1 $0x0;
	s16 =	sshll.u32 s9, $0x8;
	(pc) =	sbr.rel .LBB2_3-.Ltmp1, $4  }
0x24: {  	[tilespmem:$0xF208] =	vst v0;
	[sflag:s10] =	ssyncpa.u1 $0x0;
	p0 =	sne.s32 s2, s3;
	s2 =	simm.s32 $0x1  }
0x25: {  	s14 =	sadd.s32 s31, s14;
	[sflag:s4] =	ssyncpa.u1 $0x0;
	s2 =	simm.s32 @!p0 $0x0  }
0x26: {  	s15 =	sadd.s32 s31, s15;
	[sflag:s11] =	ssyncpa.u1 $0x0;
	s13 =	sadd.s32 s2, s30  }
0x27: {  	v0 =	vlaneseq.u32;
	s19 =	smov.u32 s7;
	p0 =	por $0x0, $0x0;
	s17 =	sadd.s32 $0x1, s13  }
.LBB2_18:
0x28: {  	s0 =	sshrl.u32 s31, $0x2  }
.LBB2_20:
0x29: {  	_ =	swait.ge [sflag:s18], s0  }
0x2a: {  	s31 =	ssub.s32 $0x0, s0;
	v1 =	vmov s24;
	vm0 =	veq.s32 v0, $0x0;
	[sflag:s18] =	ssyncset.done $0x0  }
0x2b: {  	vm15 =	veq.s32 v0, $0x2;
	v1 =	vsel vm0, s30, v1;
	[sflag:s18] =	ssyncadd.s32 s31  }
0x2c: {  	v1 =	vsel vm15, s22, v1;
	[sflag:s18] =	ssyncpa.u1 $0x1  }
0x2d: {  	[tilespmem:$0xF208] =	vst v1  }
.LBB2_21:
0x2e: {  	s0 =	sadd.s32 $0xF0, s19  }
0x2f: {  	s2 =	smov.u32 s7;
	p1 =	slt.s32 s0, s8  }
0x30: {  	s2 =	smov.u32 @p1 s0;
	p1 =	sne.s32 s21, s17  }
.Ltmp2:
0x31: {  	_ = 	snop;
	(pc) =	sbr.rel @!p1 .LBB2_22-.Ltmp2, $3  }
0x32: {  	_ =	sdelay $0x1  }
0x33: {  	s22 =	smov.u32 s20;
	s31 =	sadd.s32 $0x1, s21;
	s20 =	smov.u32 s19  }
0x34: {  	p0 =	por !p0, !p0;
	s21 =	smov.u32 s31;
	s19 =	smov.u32 s2  }
.LBB2_3:
0x35: {  	p1 =	sge.u32 s21, s13  }
0x36: {  	s0 =	smulhi.u32 @!p1 $0xAAAAAAAB, s21  }
0x37: {  	s2 =	smov.u32 s19;
	p2 =	sgt.s32 @!p1 s19, $0x3CFA0  }
0x38: {  	s3 =	sshra.s32 @!p1 s19, $0x1F;
	p2 =	por !p2, p1;
	s0 =	sshrl.u32 @!p1 s0, $0x1  }
0x39: {  	s3 =	sand.u32 @!p1 s3, s19;
	s2 =	simm.s32 @p2 $0x3CFA0;
	s0 =	smul.u32 @!p1 $0x3, s0  }
0x3a: {  	s2 =	ssub.s32 @!p1 s2, s3  }
0x3b: {  	s2 =	sadd.s32 @!p1 $0xFFFC3060, s2;
	s0 =	ssub.s32 @!p1 s21, s0  }
0x3c: {  	s3 =	sshll.u32 @!p1 s2, $0x2;
	p2 =	sgt.s32 @!p1 s2, $0xEF;
	s0 =	smul.u32 @!p1 $0x3C0, s0  }
0x3d: {  	s4 =	sand.u32 @!p1 $0x7, s19;
	s2 =	ssub.s32 @!p1 $0x3C0, s3;
	p2 =	por !p2, p1  }
0x3e: {  	s3 =	sshrl.u32 @!p1 s19, $0x3;
	s2 =	sshrl.u32 @!p1 s2, $0x2;
	s0 =	sshrl.u32 @!p1 s0, $0x2  }
0x3f: {  	s3 =	sadd.s32 @!p1 s3, s14;
	s2 =	simm.s32 @!p2 $0x0;
	s0 =	sadd.s32 @!p1 $0x10248, s0  }
0x40: {  	[tilespmem:s0], [sflag:$0xA] =	stream.linear.gather @!p1 [hbm4b:s3+s4], s2, $0x38;
	[tilespmem:$0x1F6F8] =	vst v63  }
0x41: {  	s0 =	sadd.s32 $0xFFFFFFFF, s21  }
0x42: {  	p1 =	sge.u32 s0, s13  }
0x43: {  	p2 =	sgt.s32 @!p1 s20, $0x3CFA0  }
0x44: {  	s2 =	smov.u32 s20;
	s3 =	sshra.s32 @!p1 s20, $0x1F;
	p2 =	por !p2, p1  }
0x45: {  	s3 =	sand.u32 @!p1 s3, s20;
	s2 =	simm.s32 @p2 $0x3CFA0  }
0x46: {  	s2 =	ssub.s32 @!p1 s2, s3  }
0x47: {  	s2 =	sadd.s32 @!p1 $0xFFFC3060, s2  }
0x48: {  	s4 =	sand.u32 @!p1 $0x1, s0;
	s3 =	sshll.u32 @!p1 s2, $0x2  }
0x49: {  	p2 =	sgt.s32 @!p1 s2, $0xEF;
	s2 =	ssub.s32 @!p1 $0x3C0, s3;
	s3 =	smulhi.u32 @!p1 $0xAAAAAAAB, s0  }
0x4a: {  	s23 =	smul.u32 @!p1 $0x3C0, s4;
	p2 =	por !p2, p1;
	s2 =	sshrl.u32 @!p1 s2, $0x2  }
0x4b: {  	s5 =	simm.s32 @!p1 $0xA;
	s2 =	simm.s32 @!p2 $0x0;
	s3 =	sshrl.u32 @!p1 s3, $0x1  }
0x4c: {  	s23 =	sshrl.u32 @!p1 s23, $0x2;
	_ =	swait.ge @!p1 [sflag:s5], s2;
	s3 =	smul.u32 @!p1 $0x3, s3  }
0x4d: {  	s23 =	sadd.s32 @!p1 $0x10518, s23;
	s24 =	ssub.s32 @!p1 $0x0, s2;
	[sflag:s5] =	ssyncset.done @!p1 $0x0  }
0x4e: {  	[sflag:s5] =	ssyncadd.s32 @!p1 s24;
	s5 =	sshrl.u32 @!p1 s20, $0x3;
	s0 =	ssub.s32 @!p1 s0, s3  }
0x4f: {  	s24 =	sand.u32 @!p1 $0x7, s20;
	s5 =	sadd.s32 @!p1 s5, s15;
	s0 =	smul.u32 @!p1 $0x3C0, s0  }
0x50: {  	[tilespmem:s23], [sflag:$0xB] =	stream.linear.gather @!p1 [hbm4b:s5+s24], s2, $0x38;
	[tilespmem:$0x1F6F8] =	vst v63  }
0x51: {  	s3 =	ssub.s32 @!p1 $0x3D090, s20;
	s2 =	smul.u32 @!p1 $0x1E000, s4  }
0x52: {  	p2 =	slt.s32 @!p1 s3, $0xF0  }
0x53: {  	p2 =	por !p2, p1;
	s0 =	sshrl.u32 @!p1 s0, $0x2;
	s2 =	sshrl.u32 @!p1 s2, $0x2  }
0x54: {  	s3 =	simm.s32 @p2 $0xF0;
	s0 =	sadd.s32 @!p1 $0x10248, s0;
	s2 =	sor.u32 @!p1 $0x106F8, s2  }
0x55: {  	[tilespmem:s2], [sflag:$0x9] =	stream.indirect.gather @!p1 [hbm4b:s6+s3], $0x80, s0, s3, $0xb8;
	[tilespmem:$0x1F6F8] =	vst v63  }
0x56: {  	p1 =	slt.u32 s21, $0x2  }
.Ltmp3:
0x57: {  	_ = 	snop;
	(pc) =	sbr.rel @p1 .LBB2_21-.Ltmp3, $1  }
0x58: {  	_ =	sdelay $0x3  }
0x59: {  	p1 =	sgt.s32 s22, $0x3CFA0  }
0x5a: {  	s0 =	smov.u32 s22;
	s2 =	sshra.s32 s22, $0x1F;
	s3 =	ssub.s32 $0x3D090, s22  }
0x5b: {  	s0 =	simm.s32 @!p1 $0x3CFA0;
	s2 =	sand.u32 s2, s22;
	p1 =	slt.s32 s3, $0xF0  }
0x5c: {  	s0 =	ssub.s32 s0, s2;
	s3 =	simm.s32 @!p1 $0xF0  }
0x5d: {  	s0 =	sadd.s32 $0xFFFC3060, s0;
	s25 =	sshll.u32 s3, $0x7  }
0x5e: {  	s26 =	sshll.u32 s0, $0x2;
	s2 =	sand.u32 $0x3FFFFF80, s25  }
0x5f: {  	p1 =	sgt.s32 s0, $0xEF;
	s29 =	ssub.s32 $0x3C0, s26;
	_ =	swait.ge [sflag:s10], s2  }
0x60: {  	s2 =	ssub.s32 $0x0, s2;
	[sflag:s10] =	ssyncset.done $0x0;
	s0 =	sshrl.u32 s29, $0x2  }
0x61: {  	[sflag:s10] =	ssyncadd.s32 s2;
	s0 =	simm.s32 @p1 $0x0  }
0x62: {  	_ =	swait.ge [sflag:s11], s0  }
0x63: {  	s0 =	ssub.s32 $0x0, s0;
	[sflag:s11] =	ssyncset.done $0x0  }
0x64: {  	[sflag:s11] =	ssyncadd.s32 s0  }
0x65: {  	v1 =	vld [tilespmem:$0xF208];
	_ =	sdelay $0x4  }
0x66: {  	(v2sf) =	vpush v1, $0x0  }
0x67: {  	(v2sf) =	vpush v1, $0x1  }
0x68: {  	(v2sf) =	vpush v1, $0x2;
	_ =	sdelay $0x3  }
0x69: {  	s0 =	sadd.s32 $0xF0, s22  }
0x6a: {  	s2 =	ssub.s32 $0x7A120, s22;
	p1 =	slt.s32 s8, s0  }
0x6b: {  	s0 =	smov.u32 @p1 s8;
	p1 =	sgt.s32 s2, $0x0  }
0x6c: {  	s26 =	ssub.s32 s0, s22;
	s2 =	simm.s32 @!p1 $0x0  }
0x6d: {  	p1 =	slt.s32 s2, s26  }
0x6e: {  	s26 =	smov.u32 @p1 s2  }
0x6f: {  	s25 =	simm.s32 $0x1;
	p1 =	slt.s32 s26, $0x1  }
.Ltmp4:
0x70: {  	s25 =	simm.s32 @!p0 $0x0;
	(pc) =	sbr.rel @p1 .LBB2_8-.Ltmp4, $4  }
0x71: {  	s31 =	smul.u32 $0x3C0, s25  }
0x72: {  	s28 =	spop (v2sf)  }
0x73: {  	s0 =	sshrl.u32 s31, $0x2;
	s30 =	spop (v2sf)  }
0x74: {  	s23 =	sadd.s32 $0x10518, s0;
	s22 =	spop (v2sf)  }
0x75: {  	s0 =	smin.u32 s26, $0x10  }
0x76: {  	v1 =	vmov s0  }
0x77: {  	p2 =	sgt.s32 s26, $0x10;
	vm1 =	vgt.u32 v1, v0  }
.Ltmp5:
0x78: {  	_ = 	snop;
	(pc) =	sbr.rel @!p2 .LBB2_7-.Ltmp5, $2  }
0x79: {  	_ =	sdelay $0x2  }
0x7a: {  	s4 =	simm.s32 $0x10;
	s24 =	sadd.s32 $0xFFFFFFF0, s26;
	s0 =	smov.u32 s23;
	vm0 =	vmmov vm1  }
.LBB2_6:
0x7b: {  	s2 =	smin.u32 s24, $0x10;
	s4 =	sadd.s32 $0x10, s4;
	v1 =	vld.msk [tilespmem:s0+$0x0 ss:$0x1], vm1  }
0x7c: {  	v2 =	vmov s2;
	p2 =	slt.s32 s4, s26  }
0x7d: {  	vm1 =	vgt.u32 v2, v0  }
.Ltmp6:
0x7e: {  	(pc) =	sbr.rel @p2 .LBB2_6-.Ltmp6, $3  }
0x7f: {  	_ =	sdelay $0x1  }
0x80: {  	v1 =	vshll.u32 v1, $0x4  }
0x81: {  	s24 =	sadd.s32 $0xFFFFFFF0, s24;
	[tilespmem:s0+$0x0] =	vst.msk vm0, v1;
	s0 =	sadd.s32 $0x10, s0;
	vm0 =	vmmov vm1  }
.LBB2_7:
0x82: {  	_ =	sdelay $0x4  }
0x83: {  	v1 =	vld.msk [tilespmem:s0+$0x0 ss:$0x1], vm1;
	_ =	sdelay $0x4  }
0x84: {  	v1 =	vshll.u32 v1, $0x4  }
0x85: {  	[tilespmem:s0+$0x0] =	vst.msk vm0, v1  }
.LBB2_8:
0x86: {  	s0 =	sand.u32 $0x1, s21  }
0x87: {  	s2 =	smul.u32 $0x7800, s0  }
0x88: {  	p2 =	sne.s32 s30, $0xFFFFFFFF  }
0x89: {  	v1 =	vld @!p2 [tilespmem:s2+$0x106F8];
	_ =	sdelay $0x2  }
0x8a: {  	s0 =	smul.u32 $0xF0, s0;
	_ =	sdelay $0x1  }
0x8b: {  	v2 =	vld.msk @!p2 [tilespmem:s0+$0x10518], $0x1;
	[tilespmem:$0x108] =	vst @!p2 v1  }
0x8c: {  	v1 =	vld @!p2 [tilespmem:s2+$0x10708];
	_ =	sdelay $0x4  }
0x8d: {  	[tilespmem:$0x118] =	vst @!p2 v1  }
0x8e: {  	v1 =	vld @!p2 [tilespmem:s2+$0x10718];
	_ =	sdelay $0x4  }
0x8f: {  	[tilespmem:$0x128] =	vst @!p2 v1  }
0x90: {  	v1 =	vld @!p2 [tilespmem:s2+$0x10728];
	_ =	sdelay $0x4  }
0x91: {  	[tilespmem:$0x138] =	vst @!p2 v1  }
0x92: {  	v1 =	vld @!p2 [tilespmem:s2+$0x10738];
	_ =	sdelay $0x4  }
0x93: {  	[tilespmem:$0x148] =	vst @!p2 v1  }
0x94: {  	(v2sf) =	vpush @!p2 v2, $0x0;
	v1 =	vld @!p2 [tilespmem:s2+$0x10748];
	_ =	sdelay $0x4  }
0x95: {  	[tilespmem:$0x158] =	vst @!p2 v1  }
0x96: {  	v1 =	vld @!p2 [tilespmem:s2+$0x10758];
	_ =	sdelay $0x4  }
0x97: {  	[tilespmem:$0x168] =	vst @!p2 v1  }
0x98: {  	v1 =	vld @!p2 [tilespmem:s2+$0x10768]  }
.Ltmp7:
0x99: {  	_ = 	snop;
	(pc) =	sbr.rel @p1 .LBB2_19-.Ltmp7, $4  }
0x9a: {  	_ = 	snop  }
0x9b: {  	s29 =	spop @!p2 (v2sf)  }
0x9c: {  	s22 =	simm.s32 @!p2 $0x0;
	s24 =	smov.u32 s29  }
0x9d: {  	s29 =	smov.u32 @p2 s28;
	s24 =	smov.u32 @p2 s30;
	[tilespmem:$0x178] =	vst @!p2 v1;
	[sflag:s18] =	ssyncpa.u1 $0x0  }
0x9e: {  	v1 =	vld.msk [tilespmem:s23+$0x0], $0x1;
	_ =	sdelay $0x4  }
0x9f: {  	(v2sf) =	vpush v1, $0x0;
	_ =	sdelay $0xe  }
0xa0: {  	s2 =	smul.u32 $0x1E000, s25;
	s0 =	spop (v2sf)  }
0xa1: {  	s26 =	ssub.s32 $0x0, s26;
	p1 =	seq.s32 s29, s0  }
0xa2: {  	s30 =	sadd.s32 $0x1, s26;
	s2 =	sshrl.u32 s2, $0x2;
	p2 =	sgt.s32 @!p1 s29, $0x0  }
0xa3: {  	s25 =	sor.u32 $0x10738, s2;
	s2 =	smov.u32 s29;
	p2 =	por !p2, p1  }
0xa4: {  	s2 =	simm.s32 @p2 $0x0;
	p2 =	seq.s32 s30, $0x0  }
.Ltmp8:
0xa5: {  	_ = 	snop;
	(pc) =	sbr.rel @p2 .LBB2_11-.Ltmp8, $4  }
0xa6: {  	_ = 	snop  }
0xa7: {  	s28 =	simm.s32 $0x0;
	s31 =	sadd.s32 $0x1, s23;
	s2 =	smin.u32 @!p1 s2, $0xC34F0  }
0xa8: {  	s4 =	simm.s32 @!p1 $0x1;
	s5 =	simm.s32 @!p1 $0x7988;
	s3 =	sand.u32 @!p1 $0xFFFF8, s2  }
0xa9: {  	s4 =	smov.u32 @p1 s28;
	s2 =	sand.u32 @!p1 $0x7, s2;
	s3 =	sadd.s32 @!p1 s1, s3  }
.LBB2_10:
0xaa: {  	s9 =	smov.u32 s4  }
0xab: {  	[tilespmem:s5], [sflag:$0x2] =	stream.linear.gather @!p1 [hbm4b:s3+s2], $0x80, $0x38;
	[tilespmem:$0x1F6F8] =	vst v63  }
0xac: {  	s30 =	sadd.s32 $0x1, s30;
	s2 =	smov.u32 s0;
	v1 =	vld.msk [tilespmem:s31+$0x0], $0x1  }
0xad: {  	p2 =	seq.s32 s30, $0x0;
	_ =	sdelay $0x3  }
0xae: {  	(v2sf) =	vpush v1, $0x0;
	_ =	sdelay $0xe  }
0xaf: {  	s0 =	spop (v2sf)  }
0xb0: {  	p1 =	seq.s32 s2, s0  }
0xb1: {  	p3 =	sgt.s32 @!p1 s2, $0x0;
	s3 =	sshll.u32 @!p1 s4, $0x9;
	s4 =	sadd.s32 @!p1 $0x1, s4  }
.Ltmp9:
0xb2: {  	p3 =	por !p3, p1;
	s3 =	sshra.s32 @!p1 s3, $0x2;
	(pc) =	sbr.rel @!p2 .LBB2_10-.Ltmp9, $4  }
0xb3: {  	s4 =	smov.u32 @p1 s9;
	s2 =	simm.s32 @p3 $0x0;
	s5 =	sadd.s32 @!p1 $0x7988, s3  }
0xb4: {  	s2 =	smin.u32 @!p1 s2, $0xC34F0  }
0xb5: {  	s3 =	sand.u32 @!p1 $0xFFFF8, s2;
	s2 =	sand.u32 @!p1 $0x7, s2  }
0xb6: {  	s31 =	sadd.s32 $0x1, s31;
	s3 =	sadd.s32 @!p1 s1, s3  }
.LBB2_11:
0xb7: {  	[tilespmem:s5], [sflag:$0x2] =	stream.linear.gather @!p1 [hbm4b:s3+s2], $0x80, $0x38;
	[tilespmem:$0x1F6F8] =	vst v63  }
.Ltmp10:
0xb8: {  	s0 =	sshll.u32 s4, $0x7;
	(pc) =	sbr.rel .LBB2_12-.Ltmp10, $4  }
0xb9: {  	s30 =	simm.s32 $0x2;
	s0 =	sand.u32 $0x3FFFFF80, s0  }
0xba: {  	_ =	swait.ge [sflag:s30], s0  }
0xbb: {  	s0 =	ssub.s32 $0x0, s0;
	[sflag:s30] =	ssyncset.done $0x0  }
0xbc: {  	s31 =	simm.s32 $0x0;
	[sflag:s30] =	ssyncadd.s32 s0  }
.LBB2_13:
0xbd: {  	s0 =	sshra.s32 s0, $0x2;
	v1 =	vld [tilespmem:s25+$0xFFFFFFC0]  }
0xbe: {  	v2 =	vld [tilespmem:s0+$0x108];
	_ =	sdelay $0x4  }
0xbf: {  	v1 =	vmax.f32 v1, v2  }
0xc0: {  	v2 =	vld [tilespmem:s0+$0x118];
	[tilespmem:s0+$0x108] =	vst v1  }
0xc1: {  	v1 =	vld [tilespmem:s25+$0xFFFFFFD0];
	_ =	sdelay $0x4  }
0xc2: {  	v1 =	vmax.f32 v1, v2  }
0xc3: {  	v2 =	vld [tilespmem:s0+$0x128];
	[tilespmem:s0+$0x118] =	vst v1  }
0xc4: {  	v1 =	vld [tilespmem:s25+$0xFFFFFFE0];
	_ =	sdelay $0x4  }
0xc5: {  	v1 =	vmax.f32 v1, v2  }
0xc6: {  	v2 =	vld [tilespmem:s0+$0x138];
	[tilespmem:s0+$0x128] =	vst v1  }
0xc7: {  	v1 =	vld [tilespmem:s25+$0xFFFFFFF0];
	_ =	sdelay $0x4  }
0xc8: {  	v1 =	vmax.f32 v1, v2  }
0xc9: {  	v2 =	vld [tilespmem:s0+$0x148];
	[tilespmem:s0+$0x138] =	vst v1  }
0xca: {  	v1 =	vld [tilespmem:s25+$0x0];
	_ =	sdelay $0x4  }
0xcb: {  	v1 =	vmax.f32 v1, v2  }
0xcc: {  	v2 =	vld [tilespmem:s0+$0x158];
	[tilespmem:s0+$0x148] =	vst v1  }
0xcd: {  	v1 =	vld [tilespmem:s25+$0x10];
	_ =	sdelay $0x4  }
0xce: {  	v1 =	vmax.f32 v1, v2  }
0xcf: {  	v2 =	vld [tilespmem:s0+$0x168];
	[tilespmem:s0+$0x158] =	vst v1  }
0xd0: {  	v1 =	vld [tilespmem:s25+$0x20];
	_ =	sdelay $0x4  }
0xd1: {  	v1 =	vmax.f32 v1, v2  }
0xd2: {  	v2 =	vld [tilespmem:s0+$0x178];
	[tilespmem:s0+$0x168] =	vst v1  }
0xd3: {  	v1 =	vld [tilespmem:s25+$0x30];
	_ =	sdelay $0x4  }
0xd4: {  	v1 =	vmax.f32 v1, v2  }
0xd5: {  	[tilespmem:s0+$0x178] =	vst v1  }
.LBB2_17:
0xd6: {  	s26 =	sadd.s32 $0x1, s26  }
0xd7: {  	p1 =	seq.s32 s26, $0x0  }
.Ltmp11:
0xd8: {  	_ = 	snop;
	(pc) =	sbr.rel @p1 .LBB2_18-.Ltmp11, $2  }
0xd9: {  	_ =	sdelay $0x2  }
0xda: {  	s23 =	sadd.s32 $0x1, s23;
	s25 =	sadd.s32 $0x80, s25;
	s29 =	smov.u32 s30  }
.LBB2_12:
0xdb: {  	v1 =	vld.msk [tilespmem:s23+$0x0], $0x1;
	_ =	sdelay $0x4  }
0xdc: {  	(v2sf) =	vpush v1, $0x0;
	_ =	sdelay $0xe  }
0xdd: {  	s30 =	spop (v2sf)  }
0xde: {  	p1 =	sne.s32 s29, s30  }
.Ltmp12:
0xdf: {  	_ = 	snop;
	(pc) =	sbr.rel @!p1 .LBB2_13-.Ltmp12, $2  }
0xe0: {  	_ =	sdelay $0x2  }
0xe1: {  	s0 =	sshll.u32 s22, $0x9  }
0xe2: {  	p1 =	seq.s32 s29, s24  }
.Ltmp13:
0xe3: {  	_ = 	snop;
	(pc) =	sbr.rel @!p1 .LBB2_15-.Ltmp13, $1  }
0xe4: {  	_ =	sdelay $0x3  }
0xe5: {  	s0 =	sshra.s32 s0, $0x2  }
.Ltmp14:
0xe6: {  	s0 =	sadd.s32 $0x108, s0;
	(pc) =	sbr.rel .LBB2_16-.Ltmp14, $4  }
0xe7: {  	[spmem:s16] =	stream.linear.scatter [tilespmem:s0], [sflag:$0x1], $0x80, $0x38;
	[tilespmem:$0x1F6F8] =	vst v63  }
0xe8: {  	_ =	swait.ge [sflag:s12], $0x80  }
0xe9: {  	[sflag:s12] =	ssyncset.done $0x0  }
0xea: {  	[sflag:s12] =	ssyncadd.s32 $0xFFFFFF80  }
.LBB2_15:
0xeb: {  	s2 =	sshll.u32 s28, $0x9;
	s0 =	sshra.s32 s0, $0x2  }
0xec: {  	s2 =	sshra.s32 s2, $0x2;
	v2 =	vld [tilespmem:s0+$0x108]  }
0xed: {  	v1 =	vld [tilespmem:s2+$0x7988];
	_ =	sdelay $0x4  }
0xee: {  	v1 =	vmax.f32 v1, v2  }
0xef: {  	v2 =	vld [tilespmem:s0+$0x118];
	[tilespmem:s0+$0x108] =	vst v1  }
0xf0: {  	v1 =	vld [tilespmem:s2+$0x7998];
	_ =	sdelay $0x4  }
0xf1: {  	v1 =	vmax.f32 v1, v2  }
0xf2: {  	v2 =	vld [tilespmem:s0+$0x128];
	[tilespmem:s0+$0x118] =	vst v1  }
0xf3: {  	v1 =	vld [tilespmem:s2+$0x79A8];
	_ =	sdelay $0x4  }
0xf4: {  	v1 =	vmax.f32 v1, v2  }
0xf5: {  	v2 =	vld [tilespmem:s0+$0x138];
	[tilespmem:s0+$0x128] =	vst v1  }
0xf6: {  	v1 =	vld [tilespmem:s2+$0x79B8];
	_ =	sdelay $0x4  }
0xf7: {  	v1 =	vmax.f32 v1, v2  }
0xf8: {  	v2 =	vld [tilespmem:s0+$0x148];
	[tilespmem:s0+$0x138] =	vst v1  }
0xf9: {  	v1 =	vld [tilespmem:s2+$0x79C8];
	_ =	sdelay $0x4  }
0xfa: {  	v1 =	vmax.f32 v1, v2  }
0xfb: {  	v2 =	vld [tilespmem:s0+$0x158];
	[tilespmem:s0+$0x148] =	vst v1  }
0xfc: {  	v1 =	vld [tilespmem:s2+$0x79D8];
	_ =	sdelay $0x4  }
0xfd: {  	v1 =	vmax.f32 v1, v2  }
0xfe: {  	v2 =	vld [tilespmem:s0+$0x168];
	[tilespmem:s0+$0x158] =	vst v1  }
0xff: {  	v1 =	vld [tilespmem:s2+$0x79E8];
	_ =	sdelay $0x4  }
0x100: {  	v1 =	vmax.f32 v1, v2  }
0x101: {  	v2 =	vld [tilespmem:s0+$0x178];
	[tilespmem:s0+$0x168] =	vst v1  }
0x102: {  	v1 =	vld [tilespmem:s2+$0x79F8];
	_ =	sdelay $0x3  }
0x103: {  	p1 =	sgt.u32 s29, $0xC34F0  }
0x104: {  	s2 =	sand.u32 @!p1 $0xFFFF8, s29;
	v1 =	vmax.f32 v1, v2  }
0x105: {  	s3 =	sadd.s32 $0x108, s0;
	[tilespmem:s0+$0x178] =	vst v1;
	s0 =	sadd.s32 @!p1 s1, s2;
	s2 =	sand.u32 @!p1 $0x7, s29  }
0x106: {  	[hbm4b:s0+s2] =	stream.linear.scatter @!p1 [tilespmem:s3], [sflag:$0xC], $0x80, $0x38;
	[tilespmem:$0x1F6F8] =	vst v63  }
0x107: {  	s0 =	simm.s32 $0x0  }
0x108: {  	s0 =	simm.s32 @!p1 $0x200  }
0x109: {  	s31 =	sadd.s32 s0, s31  }
.LBB2_16:
0x10a: {  	s0 =	sadd.s32 $0x1, s22  }
0x10b: {  	s2 =	smulhi.u32 $0x88888889, s0;
	_ =	sdelay $0x1  }
0x10c: {  	v1 =	vld [tilespmem:s25+$0xFFFFFFC0];
	s2 =	sshrl.u32 s2, $0x7  }
0x10d: {  	s2 =	smul.u32 $0xF0, s2;
	_ =	sdelay $0x1  }
0x10e: {  	s22 =	ssub.s32 s0, s2  }
0x10f: {  	s0 =	sshll.u32 s22, $0x7  }
0x110: {  	[tilespmem:s0+$0x108] =	vst v1  }
0x111: {  	v1 =	vld [tilespmem:s25+$0xFFFFFFD0];
	_ =	sdelay $0x4  }
0x112: {  	[tilespmem:s0+$0x118] =	vst v1  }
0x113: {  	v1 =	vld [tilespmem:s25+$0xFFFFFFE0];
	_ =	sdelay $0x4  }
0x114: {  	[tilespmem:s0+$0x128] =	vst v1  }
0x115: {  	v1 =	vld [tilespmem:s25+$0xFFFFFFF0];
	_ =	sdelay $0x4  }
0x116: {  	[tilespmem:s0+$0x138] =	vst v1  }
0x117: {  	v1 =	vld [tilespmem:s25+$0x0];
	_ =	sdelay $0x4  }
0x118: {  	[tilespmem:s0+$0x148] =	vst v1  }
0x119: {  	v1 =	vld [tilespmem:s25+$0x10];
	_ =	sdelay $0x4  }
0x11a: {  	[tilespmem:s0+$0x158] =	vst v1  }
0x11b: {  	v1 =	vld [tilespmem:s25+$0x20];
	_ =	sdelay $0x4  }
0x11c: {  	[tilespmem:s0+$0x168] =	vst v1  }
0x11d: {  	v1 =	vld [tilespmem:s25+$0x30]  }
.Ltmp15:
0x11e: {  	_ = 	snop;
	(pc) =	sbr.rel .LBB2_17-.Ltmp15, $2  }
0x11f: {  	_ =	sdelay $0x2  }
0x120: {  	s28 =	sadd.s32 $0x1, s28;
	[tilespmem:s0+$0x178] =	vst v1  }
.LBB2_19:
.Ltmp16:
0x121: {  	(pc) =	sbr.rel .LBB2_20-.Ltmp16, $4  }
0x122: {  	_ = 	snop  }
0x123: {  	s0 =	simm.s32 $0x2  }
0x124: {  	_ =	swait.ge [sflag:s0], $0x0  }
0x125: {  	s30 =	smov.u32 s29;
	[sflag:s0] =	ssyncset.done $0x0;
	s0 =	simm.s32 $0x0  }
.LBB2_22:
0x126: {  	_ =	sfence.sel $0x180000  }
0x127: {  	s0 =	simm.s32 $0x9;
	[bflag:$0x0] =	sbarrier.arrive $0xFFFF  }
0x128: {  	s24 =	simm.s32 $0xA;
	[sflag:s0] =	ssyncpa.u1 $0x1  }
0x129: {  	s25 =	simm.s32 $0xB;
	[sflag:s24] =	ssyncpa.u1 $0x1  }
0x12a: {  	s26 =	simm.s32 $0x2;
	[sflag:s25] =	ssyncpa.u1 $0x1  }
0x12b: {  	[sflag:s26] =	ssyncpa.u1 $0x1  }
0x12c: {  	v0 =	vld [tilespmem:$0xF208];
	_ =	sdelay $0x4  }
0x12d: {  	(v2sf) =	vpush v0, $0x0  }
0x12e: {  	(v2sf) =	vpush v0, $0x1;
	_ =	sdelay $0x1  }
0x12f: {  	(v2sf) =	vpush v0, $0x2;
	_ =	sdelay $0xb  }
0x130: {  	s0 =	spop (v2sf)  }
0x131: {  	s2 =	spop (v2sf)  }
0x132: {  	s3 =	smov.u32 s0;
	p0 =	sne.s32 s0, s2  }
0x133: {  	s4 =	spop (v2sf);
	s3 =	simm.s32 @!p0 $0xFFFFFFFF  }
0x134: {  	v2 =	vimm.s32 $0x1;
	v3 =	vlaneseq.u32;
	p0 =	seq.s32 s4, $0xFFFFFFFF;
	v1 =	vmov s3  }
0x135: {  	s16 =	stileid.u32;
	v0 =	vperm.xlane v0, v2;
	p1 =	sne.s32 @!p0 s0, s2;
	v1 =	vperm.xlane v1, v3  }
0x136: {  	vm0 =	vcmask $0x3F04;
	s6 =	simm.s32 $0xF208;
	s0 =	simm.s32 @!p0 $0x1;
	p1 =	por !p1, p0  }
0x137: {  	s3 =	sshll.u32 s16, $0x1;
	s2 =	sshll.u32 @!p0 s4, $0x9;
	s0 =	simm.s32 @p1 $0x0;
	v0 =	vsel vm0, v1, v0  }
0x138: {  	s5 =	sor.u32 $0x1000, s3;
	s2 =	sshra.s32 @!p0 s2, $0x2;
	s0 =	sor.u32 @!p0 s0, s3;
	[tilespmem:$0xF208] =	vst v0  }
0x139: {  	[spmem:s5] =	stream.linear.scatter [tilespmem:s6], [sflag:$0x1], $0x2, $0x38;
	[tilespmem:$0x1F6F8] =	vst v63  }
0x13a: {  	s2 =	sadd.s32 @!p0 $0x108, s2;
	s0 =	sshll.u32 @!p0 s0, $0x7  }
0x13b: {  	[spmem:s0] =	stream.linear.scatter @!p0 [tilespmem:s2], [sflag:$0x1], $0x80, $0x38;
	[tilespmem:$0x1F6F8] =	vst v63  }
0x13c: {  	s0 =	simm.s32 @!p0 $0x82  }
0x13d: {  	s28 =	simm.s32 $0x1;
	s0 =	simm.s32 @p0 $0x2  }
0x13e: {  	_ =	swait.ge [sflag:s28], s0  }
0x13f: {  	s0 =	ssub.s32 $0x0, s0;
	[sflag:s28] =	ssyncset.done $0x0  }
0x140: {  	p0 =	sne.s32 s16, $0x0;
	[sflag:s28] =	ssyncadd.s32 s0  }
.Ltmp17:
0x141: {  	_ =	sfence.stream.spmem;
	(pc) =	sbr.rel @p0 .LBB2_39-.Ltmp17, $4  }
0x142: {  	s29 =	simm.s32 $0x3;
	[bflag:$0x0] =	sbarrier.arrive $0xFFFF  }
0x143: {  	s30 =	simm.s32 $0x4;
	[sflag:s29] =	ssyncpa.u1 $0x1  }
0x144: {  	s31 =	simm.s32 $0x3C;
	[sflag:s30] =	ssyncpa.u1 $0x1  }
0x145: {  	s15 =	rddreg [dreg:$0x5];
	[sflag:s31] =	ssyncpa.u1 $0x1  }
0x146: {  	_ =	sfence.stream.spmem;
	s0 =	simm.s32 $0x5  }
0x147: {  	s2 =	simm.s32 $0x1000;
	s3 =	simm.s32 $0xF218;
	[sflag:s0] =	ssyncpa.u1 $0x0  }
0x148: {  	[tilespmem:s3], [sflag:$0x5] =	stream.linear.gather [spmem:s2], $0x20, $0x38;
	[tilespmem:$0x1F6F8] =	vst v63  }
0x149: {  	s26 =	simm.s32 $0x0;
	s28 =	simm.s32 $0xF238  }
0x14a: {  	[tilespmem:s28], [sflag:$0x5] =	stream.linear.gather [spmem:s26], $0x1000, $0x38;
	[tilespmem:$0x1F6F8] =	vst v63  }
0x14b: {  	_ =	swait.ge [sflag:s0], $0x1020  }
0x14c: {  	[sflag:s0] =	ssyncset.done $0x0  }
0x14d: {  	s29 =	simm.s32 $0x0;
	[sflag:s0] =	ssyncadd.s32 $0xFFFFEFE0  }
0x14e: {  	v0 =	vld.msk [tilespmem:s29+$0xF218], $0x1;
	_ =	sdelay $0x1  }
0x14f: {  	s30 =	simm.s32 $0x1  }
0x150: {  	v1 =	vld.msk [tilespmem:s30+$0xF218], $0x1;
	_ =	sdelay $0x1  }
0x151: {  	(v2sf) =	vpush v0, $0x0;
	_ =	sdelay $0x2  }
0x152: {  	(v2sf) =	vpush v1, $0x0;
	_ =	sdelay $0x2  }
0x153: {  	s31 =	simm.s32 $0x2  }
0x154: {  	v0 =	vld.msk [tilespmem:s31+$0xF218], $0x1;
	_ =	sdelay $0x2  }
0x155: {  	s4 =	simm.s32 $0xFFFFFFFF;
	s5 =	simm.s32 $0xFFFFFFFF;
	s0 =	simm.s32 $0xC  }
.LBB2_24:
0x156: {  	s2 =	smov.u32 s5;
	s3 =	smov.u32 s4  }
0x157: {  	s4 =	sshra.s32 s0, $0x2;
	p1 =	sne.s32 s0, $0x7C;
	s0 =	sadd.s32 $0x4, s0;
	(v2sf) =	vpush v0, $0x0  }
0x158: {  	v0 =	vld.msk [tilespmem:s4+$0xF218], $0x1  }
.Ltmp18:
0x159: {  	(pc) =	sbr.rel @p1 .LBB2_24-.Ltmp18, $4  }
0x15a: {  	s5 =	spop (v2sf)  }
0x15b: {  	p2 =	sne.s32 s3, $0xFFFFFFFF;
	s4 =	smov.u32 s5  }
0x15c: {  	p3 =	seq.s32 s5, $0xFFFFFFFF;
	s4 =	smov.u32 @p2 s3  }
0x15d: {  	s5 =	smov.u32 @p3 s2;
	s4 =	smov.u32 @p3 s3  }
0x15e: {  	(v2sf) =	vpush v0, $0x0;
	_ =	sdelay $0x8  }
0x15f: {  	s0 =	spop (v2sf)  }
0x160: {  	p1 =	sne.s32 s4, $0xFFFFFFFF;
	s2 =	smov.u32 s0  }
0x161: {  	s9 =	simm.s32 $0x6;
	p2 =	seq.s32 s0, $0xFFFFFFFF;
	s2 =	smov.u32 @p1 s4  }
0x162: {  	s6 =	simm.s32 $0x0;
	s2 =	smov.u32 @p2 s4;
	s3 =	spop (v2sf)  }
0x163: {  	s0 =	smov.u32 @p2 s5;
	p1 =	sne.s32 s2, $0xFFFFFFFF;
	s4 =	smov.u32 s3  }
.Ltmp19:
0x164: {  	p2 =	seq.s32 s3, $0xFFFFFFFF;
	s4 =	smov.u32 @p1 s2;
	(pc) =	sbr.rel .LBB2_26-.Ltmp19, $4  }
0x165: {  	s10 =	simm.s32 $0xF188;
	s4 =	smov.u32 @p2 s2;
	s7 =	spop (v2sf)  }
0x166: {  	s11 =	simm.s32 $0x0;
	p1 =	sne.s32 s4, $0xFFFFFFFF;
	s8 =	smov.u32 s7  }
0x167: {  	s3 =	smov.u32 @p2 s0;
	p2 =	seq.s32 s7, $0xFFFFFFFF;
	s8 =	smov.u32 @p1 s4  }
0x168: {  	[sflag:s9] =	ssyncpa.u1 $0x0;
	s7 =	smov.u32 @p2 s3;
	s8 =	smov.u32 @p2 s4  }
.LBB2_32:
0x169: {  	p1 =	sgt.u32 s12, $0xC34F0  }
0x16a: {  	p2 =	seq.s32 @!p1 s12, s8  }
0x16b: {  	p1 =	por p1, p2  }
0x16c: {  	p2 =	sne.s32 @!p1 s12, s7  }
0x16d: {  	p1 =	por p1, !p2  }
0x16e: {  	s0 =	sshll.u32 @p1 s11, $0x9  }
0x16f: {  	s0 =	sand.u32 @!p1 $0xFFFF8, s12  }
0x170: {  	s2 =	sand.u32 @!p1 $0x7, s12;
	s0 =	sadd.s32 @!p1 s1, s0  }
0x171: {  	[tilespmem:s10], [sflag:$0x6] =	stream.linear.gather @!p1 [hbm4b:s0+s2], $0x80, $0x38;
	[tilespmem:$0x1F6F8] =	vst v63  }
0x172: {  	_ =	swait.ge @!p1 [sflag:s9], $0x80  }
0x173: {  	[sflag:s9] =	ssyncset.done @!p1 $0x0  }
0x174: {  	s0 =	sshll.u32 @!p1 s11, $0x9;
	[sflag:s9] =	ssyncadd.s32 @!p1 $0xFFFFFF80  }
0x175: {  	s2 =	sshrl.u32 @!p1 s0, $0x2;
	v1 =	vld @!p1 [tilespmem:$0xF188]  }
0x176: {  	v2 =	vld @!p1 [tilespmem:s2+$0xF238];
	_ =	sdelay $0x4  }
0x177: {  	v1 =	vmax.f32 @!p1 v1, v2  }
0x178: {  	v2 =	vld @!p1 [tilespmem:s2+$0xF248];
	[tilespmem:s2+$0xF238] =	vst @!p1 v1  }
0x179: {  	v1 =	vld @!p1 [tilespmem:$0xF198];
	_ =	sdelay $0x4  }
0x17a: {  	v1 =	vmax.f32 @!p1 v1, v2  }
0x17b: {  	v2 =	vld @!p1 [tilespmem:s2+$0xF258];
	[tilespmem:s2+$0xF248] =	vst @!p1 v1  }
0x17c: {  	v1 =	vld @!p1 [tilespmem:$0xF1A8];
	_ =	sdelay $0x4  }
0x17d: {  	v1 =	vmax.f32 @!p1 v1, v2  }
0x17e: {  	v2 =	vld @!p1 [tilespmem:s2+$0xF268];
	[tilespmem:s2+$0xF258] =	vst @!p1 v1  }
0x17f: {  	v1 =	vld @!p1 [tilespmem:$0xF1B8];
	_ =	sdelay $0x4  }
0x180: {  	v1 =	vmax.f32 @!p1 v1, v2  }
0x181: {  	v2 =	vld @!p1 [tilespmem:s2+$0xF278];
	[tilespmem:s2+$0xF268] =	vst @!p1 v1  }
0x182: {  	v1 =	vld @!p1 [tilespmem:$0xF1C8];
	_ =	sdelay $0x4  }
0x183: {  	v1 =	vmax.f32 @!p1 v1, v2  }
0x184: {  	v2 =	vld @!p1 [tilespmem:s2+$0xF288];
	[tilespmem:s2+$0xF278] =	vst @!p1 v1  }
0x185: {  	v1 =	vld @!p1 [tilespmem:$0xF1D8];
	_ =	sdelay $0x4  }
0x186: {  	v1 =	vmax.f32 @!p1 v1, v2  }
0x187: {  	v2 =	vld @!p1 [tilespmem:s2+$0xF298];
	[tilespmem:s2+$0xF288] =	vst @!p1 v1  }
0x188: {  	v1 =	vld @!p1 [tilespmem:$0xF1E8];
	_ =	sdelay $0x4  }
0x189: {  	v1 =	vmax.f32 @!p1 v1, v2  }
0x18a: {  	v2 =	vld @!p1 [tilespmem:s2+$0xF2A8];
	[tilespmem:s2+$0xF298] =	vst @!p1 v1  }
0x18b: {  	v1 =	vld @!p1 [tilespmem:$0xF1F8];
	_ =	sdelay $0x4  }
0x18c: {  	v1 =	vmax.f32 @!p1 v1, v2  }
0x18d: {  	[tilespmem:s2+$0xF2A8] =	vst @!p1 v1  }
0x18e: {  	s0 =	sshrl.u32 s0, $0x2;
	[tilespmem:s6+$0xF218] =	vst.msk $0x1, v0  }
0x18f: {  	v0 =	vld [tilespmem:s0+$0xF238];
	_ =	sdelay $0x2  }
0x190: {  	s31 =	sshll.u32 s6, $0x9  }
0x191: {  	s2 =	sshra.s32 s31, $0x2  }
0x192: {  	[tilespmem:s2+$0xF238] =	vst v0  }
0x193: {  	v0 =	vld [tilespmem:s0+$0xF248];
	_ =	sdelay $0x4  }
0x194: {  	[tilespmem:s2+$0xF248] =	vst v0  }
0x195: {  	v0 =	vld [tilespmem:s0+$0xF258];
	_ =	sdelay $0x4  }
0x196: {  	[tilespmem:s2+$0xF258] =	vst v0  }
0x197: {  	v0 =	vld [tilespmem:s0+$0xF268];
	_ =	sdelay $0x4  }
0x198: {  	[tilespmem:s2+$0xF268] =	vst v0  }
0x199: {  	v0 =	vld [tilespmem:s0+$0xF278];
	_ =	sdelay $0x4  }
0x19a: {  	[tilespmem:s2+$0xF278] =	vst v0  }
0x19b: {  	v0 =	vld [tilespmem:s0+$0xF288];
	_ =	sdelay $0x4  }
0x19c: {  	[tilespmem:s2+$0xF288] =	vst v0  }
0x19d: {  	v0 =	vld [tilespmem:s0+$0xF298];
	_ =	sdelay $0x4  }
0x19e: {  	[tilespmem:s2+$0xF298] =	vst v0  }
0x19f: {  	v0 =	vld [tilespmem:s0+$0xF2A8];
	_ =	sdelay $0x4  }
0x1a0: {  	s6 =	sadd.s32 $0x1, s6;
	[tilespmem:s2+$0xF2A8] =	vst v0  }
.LBB2_33:
0x1a1: {  	s11 =	sadd.s32 $0x1, s11  }
0x1a2: {  	p1 =	sne.s32 s11, $0x20  }
.Ltmp20:
0x1a3: {  	_ = 	snop;
	(pc) =	sbr.rel @!p1 .LBB2_34-.Ltmp20, $1  }
0x1a4: {  	_ =	sdelay $0x3  }
.LBB2_26:
0x1a5: {  	v0 =	vld.msk [tilespmem:s11+$0xF218], $0x1;
	_ =	sdelay $0x4  }
0x1a6: {  	(v2sf) =	vpush v0, $0x0;
	_ =	sdelay $0xe  }
0x1a7: {  	s12 =	spop (v2sf)  }
0x1a8: {  	p1 =	seq.s32 s12, $0xFFFFFFFF  }
.Ltmp21:
0x1a9: {  	_ = 	snop;
	(pc) =	sbr.rel @p1 .LBB2_33-.Ltmp21, $1  }
0x1aa: {  	_ =	sdelay $0x3  }
0x1ab: {  	p1 =	slt.s32 s6, $0x1  }
.Ltmp22:
0x1ac: {  	_ = 	snop;
	(pc) =	sbr.rel @p1 .LBB2_32-.Ltmp22, $1  }
0x1ad: {  	_ =	sdelay $0x3  }
0x1ae: {  	s13 =	simm.s32 $0xF218;
	p1 =	por $0x0, $0x0  }
0x1af: {  	v1 =	vld.msk @!p1 [tilespmem:s13+$0x0], $0x1;
	_ =	sdelay $0x4  }
0x1b0: {  	(v2sf) =	vpush @!p1 v1, $0x0;
	_ =	sdelay $0xd  }
0x1b1: {  	p3 =	sne.s32 s6, $0x1  }
.Ltmp23:
0x1b2: {  	s0 =	spop @!p1 (v2sf);
	(pc) =	sbr.rel @!p3 .LBB2_30-.Ltmp23, $4  }
0x1b3: {  	p2 =	seq.s32 @!p1 s12, s0  }
0x1b4: {  	s14 =	simm.s32 $0x0;
	p2 =	por !p2, p1  }
0x1b5: {  	s2 =	simm.s32 $0xFFFFFFFF;
	s14 =	simm.s32 @p2 $0xFFFFFFFF  }
0x1b6: {  	s0 =	simm.s32 $0x1;
	s14 =	smov.u32 @p1 s2  }
.LBB2_29:
0x1b7: {  	s2 =	smov.u32 s14;
	p1 =	sne.s32 s14, $0xFFFFFFFF  }
0x1b8: {  	s13 =	sadd.s32 $0x1, s13;
	s14 =	smov.u32 s0;
	s0 =	sadd.s32 $0x1, s0  }
0x1b9: {  	p2 =	sne.s32 s6, s0;
	v1 =	vld.msk @!p1 [tilespmem:s13+$0x0], $0x1;
	_ =	sdelay $0x4  }
0x1ba: {  	(v2sf) =	vpush @!p1 v1, $0x0;
	_ =	sdelay $0xe  }
.Ltmp24:
0x1bb: {  	s3 =	spop @!p1 (v2sf);
	(pc) =	sbr.rel @p2 .LBB2_29-.Ltmp24, $4  }
0x1bc: {  	p3 =	seq.s32 @!p1 s12, s3  }
0x1bd: {  	p3 =	por !p3, p1  }
0x1be: {  	s14 =	simm.s32 @p3 $0xFFFFFFFF  }
0x1bf: {  	s14 =	smov.u32 @p1 s2  }
.LBB2_30:
0x1c0: {  	p1 =	seq.s32 s14, $0xFFFFFFFF  }
.Ltmp25:
0x1c1: {  	_ = 	snop;
	(pc) =	sbr.rel @p1 .LBB2_32-.Ltmp25, $1  }
0x1c2: {  	_ =	sdelay $0x3  }
0x1c3: {  	s0 =	sshll.u32 s11, $0x7  }
0x1c4: {  	s2 =	sshll.u32 s14, $0x9;
	s0 =	sand.u32 $0x3FFFFF80, s0  }
0x1c5: {  	s2 =	sshra.s32 s2, $0x2;
	v0 =	vld [tilespmem:s0+$0xF238]  }
0x1c6: {  	v1 =	vld [tilespmem:s2+$0xF238];
	_ =	sdelay $0x4  }
0x1c7: {  	v0 =	vmax.f32 v0, v1  }
0x1c8: {  	v57 =	vld [tilespmem:s2+$0xF248];
	[tilespmem:s2+$0xF238] =	vst v0  }
0x1c9: {  	v0 =	vld [tilespmem:s0+$0xF248];
	_ =	sdelay $0x4  }
0x1ca: {  	v0 =	vmax.f32 v0, v57  }
0x1cb: {  	v58 =	vld [tilespmem:s2+$0xF258];
	[tilespmem:s2+$0xF248] =	vst v0  }
0x1cc: {  	v0 =	vld [tilespmem:s0+$0xF258];
	_ =	sdelay $0x4  }
0x1cd: {  	v0 =	vmax.f32 v0, v58  }
0x1ce: {  	v59 =	vld [tilespmem:s2+$0xF268];
	[tilespmem:s2+$0xF258] =	vst v0  }
0x1cf: {  	v0 =	vld [tilespmem:s0+$0xF268];
	_ =	sdelay $0x4  }
0x1d0: {  	v0 =	vmax.f32 v0, v59  }
0x1d1: {  	v60 =	vld [tilespmem:s2+$0xF278];
	[tilespmem:s2+$0xF268] =	vst v0  }
0x1d2: {  	v0 =	vld [tilespmem:s0+$0xF278];
	_ =	sdelay $0x4  }
0x1d3: {  	v0 =	vmax.f32 v0, v60  }
0x1d4: {  	v61 =	vld [tilespmem:s2+$0xF288];
	[tilespmem:s2+$0xF278] =	vst v0  }
0x1d5: {  	v0 =	vld [tilespmem:s0+$0xF288];
	_ =	sdelay $0x4  }
0x1d6: {  	v0 =	vmax.f32 v0, v61  }
0x1d7: {  	v62 =	vld [tilespmem:s2+$0xF298];
	[tilespmem:s2+$0xF288] =	vst v0  }
0x1d8: {  	v0 =	vld [tilespmem:s0+$0xF298];
	_ =	sdelay $0x4  }
0x1d9: {  	v0 =	vmax.f32 v0, v62  }
0x1da: {  	v63 =	vld [tilespmem:s2+$0xF2A8];
	[tilespmem:s2+$0xF298] =	vst v0  }
0x1db: {  	v0 =	vld [tilespmem:s0+$0xF2A8];
	_ =	sdelay $0x1  }
.Ltmp26:
0x1dc: {  	_ = 	snop;
	(pc) =	sbr.rel .LBB2_33-.Ltmp26, $3  }
0x1dd: {  	_ =	sdelay $0x1  }
0x1de: {  	v0 =	vmax.f32 v0, v63  }
0x1df: {  	[tilespmem:s2+$0xF2A8] =	vst v0  }
.LBB2_34:
0x1e0: {  	s0 =	simm.s32 $0x6;
	p1 =	seq.s32 s6, $0x0  }
0x1e1: {  	[sflag:s0] =	ssyncpa.u1 $0x1;
	v0 =	vimm.s32 @p1 $0xFFFFFFFF  }
0x1e2: {  	s9 =	sadd.s32 $0xFFFFFFFF, s6;
	[tilespmem:$0x10238] =	vst @p1 v0  }
0x1e3: {  	v0 =	vld.msk @!p1 [tilespmem:s9+$0xF218], $0x1;
	_ =	sdelay $0x1  }
0x1e4: {  	v1 =	vld.msk @!p1 [tilespmem:$0xF218], $0x1;
	_ =	sdelay $0x2  }
0x1e5: {  	p2 =	seq.s32 @!p1 s9, $0x0;
	v0 =	vbroadcast @!p1 v0, $0x0  }
0x1e6: {  	vm0 =	vmmov @!p1 $0x1;
	p2 =	por !p2, p1  }
0x1e7: {  	v1 =	vnsel @!p1 vm0, $0xFFFFFFFF, v1;
	vm0 =	vcmask @!p1 $0x308;
	v0 =	vpsel !p2, $0xFFFFFFFF, v0  }
0x1e8: {  	p2 =	sne.s32 @!p1 s8, s7;
	v0 =	vsel @!p1 vm0, v1, v0  }
0x1e9: {  	s0 =	simm.s32 @!p1 $0xF238;
	s2 =	simm.s32 @!p1 $0x0;
	p3 =	por !p2, p1;
	[tilespmem:$0x10238] =	vst @!p1 v0  }
0x1ea: {  	[spmem:s2] =	stream.linear.scatter @!p1 [tilespmem:s0], [sflag:$0x1], $0x80, $0x38;
	[tilespmem:$0x1F6F8] =	vst v63  }
0x1eb: {  	s0 =	sshll.u32 @!p3 s9, $0x9  }
0x1ec: {  	s0 =	sshra.s32 @!p3 s0, $0x2  }
0x1ed: {  	s2 =	simm.s32 @!p3 $0x80;
	s0 =	sadd.s32 @!p3 $0xF238, s0  }
0x1ee: {  	[spmem:s2] =	stream.linear.scatter @!p3 [tilespmem:s0], [sflag:$0x1], $0x80, $0x38;
	[tilespmem:$0x1F6F8] =	vst v63  }
0x1ef: {  	s0 =	simm.s32 @!p3 $0x1  }
0x1f0: {  	_ =	swait.ge @!p3 [sflag:s0], $0x100  }
0x1f1: {  	p1 =	por p2, p1;
	[sflag:s0] =	ssyncset.done @!p3 $0x0  }
0x1f2: {  	[sflag:s0] =	ssyncadd.s32 @!p3 $0xFFFFFF00;
	s0 =	simm.s32 @!p1 $0x1  }
0x1f3: {  	_ =	swait.ge @!p1 [sflag:s0], $0x80  }
0x1f4: {  	s29 =	simm.s32 $0x10238;
	[sflag:s0] =	ssyncset.done @!p1 $0x0  }
0x1f5: {  	s30 =	simm.s32 $0x1000;
	s31 =	simm.s32 $0x1;
	[sflag:s0] =	ssyncadd.s32 @!p1 $0xFFFFFF80  }
0x1f6: {  	[spmem:s30] =	stream.linear.scatter [tilespmem:s29], [sflag:$0x1], $0x10, $0x38;
	[tilespmem:$0x1F6F8] =	vst v63  }
0x1f7: {  	_ =	swait.ge [sflag:s31], $0x10  }
0x1f8: {  	[sflag:s31] =	ssyncset.done $0x0  }
0x1f9: {  	p1 =	seq.s32 s15, $0x0;
	s8 =	rddreg [dreg:$0x2];
	[sflag:s31] =	ssyncadd.s32 $0xFFFFFFF0  }
0x1fa: {  	s2 =	sshll.u32 @p1 s8, $0xE;
	s7 =	rddreg [dreg:$0x3]  }
0x1fb: {  	s0 =	sadd.s32 @p1 $0x15C3C, s2;
	s2 =	sshll.u32 @p1 s7, $0x11  }
0x1fc: {  	_ =	sfence.stream.spmem;
	s0 =	sor.u32 @p1 s2, s0  }
0x1fd: {  	[sflag:s0] =	ssyncadd.remote.s32 @p1 $0x1;
	s0 =	simm.s32 @p1 $0x4  }
0x1fe: {  	s3 =	simm.s32 @!p1 $0x3C;
	s2 =	sand.u32 $0xFFFFFFFE, s8;
	_ =	swait.ge @p1 [sflag:s0], $0x22  }
0x1ff: {  	s4 =	simm.s32 @!p1 $0x0;
	s2 =	sadd.s32 @!p1 $0x4, s2;
	[sflag:s0] =	ssyncset.done @p1 $0x0  }
0x200: {  	s5 =	simm.s32 @!p1 $0x100;
	[sflag:s0] =	ssyncadd.s32 @p1 $0xFFFFFFDE;
	s0 =	sshll.u32 @!p1 s2, $0x1A  }
0x201: {  	s2 =	sshll.u32 @!p1 s2, $0xD;
	s0 =	sor.u32 @!p1 s0, s7;
	_ =	swait.eq @!p1 [sflag:s3], $0x1  }
0x202: {  	s2 =	sor.u32 @!p1 $0x1C04, s2;
	s3 =	simm.s32 @!p1 $0x1C03;
	s0 =	sor.u32 @!p1 $0x80004000, s0  }
0x203: {  	[spmem:s5], [sflag:s2] =	dma.general @!p1 [spmem:s4], [sflag:s3], length:$0x20, [dreg:$0x0], stride_count:$0x0, ici_dest:s0, dma_misc:DstOpCode:WRITE  }
0x204: {  	p2 =	slt.s32 s9, $0x2;
	s4 =	simm.s32 @!p1 $0x200;
	s5 =	simm.s32 @!p1 $0x202  }
0x205: {  	[spmem:s5], [sflag:s2] =	dma.general @!p1 [spmem:s4], [sflag:s3], length:$0x2, [dreg:$0x0], stride_count:$0x0, ici_dest:s0, dma_misc:DstOpCode:WRITE  }
.Ltmp27:
0x206: {  	s0 =	simm.s32 @!p1 $0x3;
	(pc) =	sbr.rel @p2 .LBB2_38-.Ltmp27, $4  }
0x207: {  	s2 =	sshll.u32 @!p1 s8, $0xE;
	_ =	swait.ge @!p1 [sflag:s0], $0x22  }
0x208: {  	s3 =	sshll.u32 @!p1 s7, $0x11;
	s2 =	sadd.s32 @!p1 $0x11C3C, s2;
	[sflag:s0] =	ssyncset.done @!p1 $0x0  }
0x209: {  	[sflag:s0] =	ssyncadd.s32 @!p1 $0xFFFFFFDE;
	s0 =	sor.u32 @!p1 s3, s2  }
0x20a: {  	[sflag:s0] =	ssyncadd.remote.s32 @!p1 $0xFFFFFFFF;
	s0 =	simm.s32 $0x0  }
0x20b: {  	s0 =	simm.s32 $0xF219  }
0x20c: {  	v0 =	vld.msk [tilespmem:s0+$0x0], $0x1;
	_ =	sdelay $0x4  }
0x20d: {  	(v2sf) =	vpush v0, $0x0;
	_ =	sdelay $0xb  }
0x20e: {  	s31 =	sadd.s32 $0xFFFFFFFE, s6  }
0x20f: {  	s0 =	sadd.s32 $0xFFFFFFFF, s31  }
0x210: {  	p2 =	sne.s32 s0, $0x0  }
.Ltmp28:
0x211: {  	s2 =	spop (v2sf);
	(pc) =	sbr.rel @!p2 .LBB2_37-.Ltmp28, $4  }
0x212: {  	s4 =	simm.s32 $0xF2B8;
	s7 =	simm.s32 $0x0;
	p1 =	sgt.u32 s2, $0xC34F0  }
0x213: {  	s5 =	simm.s32 $0x0;
	s6 =	simm.s32 $0xF21A;
	s3 =	sand.u32 @!p1 $0xFFFF8, s2  }
0x214: {  	s2 =	sand.u32 @!p1 $0x7, s2;
	s7 =	simm.s32 @!p1 $0x200;
	s3 =	sadd.s32 @!p1 s1, s3  }
0x215: {  	[hbm4b:s3+s2] =	stream.linear.scatter @!p1 [tilespmem:s4], [sflag:$0x5], $0x80, $0x38;
	[tilespmem:$0x1F6F8] =	vst v63  }
.LBB2_36:
0x216: {  	v0 =	vld.msk [tilespmem:s6+$0x0], $0x1;
	s0 =	sadd.s32 $0xFFFFFFFF, s0;
	s5 =	sadd.s32 s5, s7  }
0x217: {  	p1 =	sne.s32 s0, $0x0;
	_ =	sdelay $0x3  }
0x218: {  	(v2sf) =	vpush v0, $0x0;
	_ =	sdelay $0xe  }
.Ltmp29:
0x219: {  	s2 =	spop (v2sf);
	(pc) =	sbr.rel @p1 .LBB2_36-.Ltmp29, $4  }
0x21a: {  	s7 =	simm.s32 $0x0;
	p2 =	sgt.u32 s2, $0xC34F0  }
0x21b: {  	s4 =	sadd.s32 $0x80, s4;
	s7 =	simm.s32 @!p2 $0x200;
	s3 =	sand.u32 @!p2 $0xFFFF8, s2  }
0x21c: {  	s6 =	sadd.s32 $0x1, s6;
	s2 =	sand.u32 @!p2 $0x7, s2;
	s3 =	sadd.s32 @!p2 s1, s3  }
0x21d: {  	[hbm4b:s3+s2] =	stream.linear.scatter @!p2 [tilespmem:s4], [sflag:$0x5], $0x80, $0x38;
	[tilespmem:$0x1F6F8] =	vst v63  }
.LBB2_37:
0x21e: {  	s0 =	sadd.s32 s5, s7  }
0x21f: {  	s0 =	sshrl.u32 s0, $0x2  }
.LBB2_38:
0x220: {  	s2 =	simm.s32 $0x5  }
0x221: {  	_ =	swait.ge [sflag:s2], s0  }
0x222: {  	s31 =	ssub.s32 $0x0, s0;
	[sflag:s2] =	ssyncset.done $0x0  }
0x223: {  	[sflag:s2] =	ssyncadd.s32 s31  }
0x224: {  	[sflag:s2] =	ssyncpa.u1 $0x1  }
.LBB2_39:
0x225: {  	s0 =	sor.u32 s15, s16  }
0x226: {  	p1 =	sne.s32 s0, $0x0  }
.Ltmp30:
0x227: {  	_ = 	snop;
	(pc) =	sbr.rel @p1 .LBB2_54-.Ltmp30, $3  }
0x228: {  	_ =	sdelay $0x1  }
0x229: {  	[bflag:$0x0] =	sbarrier.arrive $0xFFFF  }
0x22a: {  	_ =	sfence  }
0x22b: {  	s0 =	simm.s32 $0x7  }
0x22c: {  	s2 =	simm.s32 $0x1000;
	s3 =	simm.s32 $0xF218;
	[sflag:s0] =	ssyncpa.u1 $0x0  }
0x22d: {  	[tilespmem:s3], [sflag:$0x7] =	stream.linear.gather [spmem:s2], $0x20, $0x38;
	[tilespmem:$0x1F6F8] =	vst v63  }
0x22e: {  	s30 =	simm.s32 $0xF238;
	s2 =	simm.s32 $0x0  }
0x22f: {  	[tilespmem:s30], [sflag:$0x7] =	stream.linear.gather [spmem:s2], $0x1000, $0x38;
	[tilespmem:$0x1F6F8] =	vst v63  }
.Ltmp31:
0x230: {  	_ = 	snop;
	(pc) =	sbr.rel .LBB2_41-.Ltmp31, $4  }
0x231: {  	_ =	swait.ge [sflag:s0], $0x1020  }
0x232: {  	[sflag:s0] =	ssyncset.done $0x0  }
0x233: {  	s31 =	simm.s32 $0x8;
	[sflag:s0] =	ssyncadd.s32 $0xFFFFEFE0  }
0x234: {  	s3 =	simm.s32 $0x0;
	[sflag:s31] =	ssyncpa.u1 $0x0  }
.LBB2_47:
0x235: {  	p1 =	slt.u32 s4, $0xC34F1  }
0x236: {  	s0 =	sand.u32 @p1 $0xFFFF8, s4  }
0x237: {  	s4 =	sand.u32 @p1 $0x7, s4;
	s5 =	simm.s32 @p1 $0xF188;
	s0 =	sadd.s32 @p1 s1, s0  }
0x238: {  	[tilespmem:s5], [sflag:$0x8] =	stream.linear.gather @p1 [hbm4b:s0+s4], $0x80, $0x38;
	[tilespmem:$0x1F6F8] =	vst v63  }
0x239: {  	s0 =	simm.s32 @p1 $0x8  }
0x23a: {  	_ =	swait.ge @p1 [sflag:s0], $0x80  }
0x23b: {  	[sflag:s0] =	ssyncset.done @p1 $0x0  }
0x23c: {  	[sflag:s0] =	ssyncadd.s32 @p1 $0xFFFFFF80;
	s0 =	sshll.u32 @p1 s3, $0x9  }
0x23d: {  	s4 =	sshrl.u32 @p1 s0, $0x2;
	v1 =	vld @p1 [tilespmem:$0xF188]  }
0x23e: {  	v2 =	vld @p1 [tilespmem:s4+$0xF238];
	_ =	sdelay $0x4  }
0x23f: {  	v1 =	vmax.f32 @p1 v1, v2  }
0x240: {  	v2 =	vld @p1 [tilespmem:s4+$0xF248];
	[tilespmem:s4+$0xF238] =	vst @p1 v1  }
0x241: {  	v1 =	vld @p1 [tilespmem:$0xF198];
	_ =	sdelay $0x4  }
0x242: {  	v1 =	vmax.f32 @p1 v1, v2  }
0x243: {  	v2 =	vld @p1 [tilespmem:s4+$0xF258];
	[tilespmem:s4+$0xF248] =	vst @p1 v1  }
0x244: {  	v1 =	vld @p1 [tilespmem:$0xF1A8];
	_ =	sdelay $0x4  }
0x245: {  	v1 =	vmax.f32 @p1 v1, v2  }
0x246: {  	v2 =	vld @p1 [tilespmem:s4+$0xF268];
	[tilespmem:s4+$0xF258] =	vst @p1 v1  }
0x247: {  	v1 =	vld @p1 [tilespmem:$0xF1B8];
	_ =	sdelay $0x4  }
0x248: {  	v1 =	vmax.f32 @p1 v1, v2  }
0x249: {  	v2 =	vld @p1 [tilespmem:s4+$0xF278];
	[tilespmem:s4+$0xF268] =	vst @p1 v1  }
0x24a: {  	v1 =	vld @p1 [tilespmem:$0xF1C8];
	_ =	sdelay $0x4  }
0x24b: {  	v1 =	vmax.f32 @p1 v1, v2  }
0x24c: {  	v2 =	vld @p1 [tilespmem:s4+$0xF288];
	[tilespmem:s4+$0xF278] =	vst @p1 v1  }
0x24d: {  	v1 =	vld @p1 [tilespmem:$0xF1D8];
	_ =	sdelay $0x4  }
0x24e: {  	v1 =	vmax.f32 @p1 v1, v2  }
0x24f: {  	v2 =	vld @p1 [tilespmem:s4+$0xF298];
	[tilespmem:s4+$0xF288] =	vst @p1 v1  }
0x250: {  	v1 =	vld @p1 [tilespmem:$0xF1E8];
	_ =	sdelay $0x4  }
0x251: {  	v1 =	vmax.f32 @p1 v1, v2  }
0x252: {  	v2 =	vld @p1 [tilespmem:s4+$0xF2A8];
	[tilespmem:s4+$0xF298] =	vst @p1 v1  }
0x253: {  	v1 =	vld @p1 [tilespmem:$0xF1F8];
	_ =	sdelay $0x4  }
0x254: {  	s5 =	sshll.u32 @!p1 s3, $0x9;
	v1 =	vmax.f32 @p1 v1, v2  }
0x255: {  	s5 =	smov.u32 @p1 s0;
	[tilespmem:s4+$0xF2A8] =	vst @p1 v1  }
0x256: {  	s0 =	sshrl.u32 s5, $0x2;
	[tilespmem:s2+$0xF218] =	vst.msk $0x1, v0  }
0x257: {  	v0 =	vld [tilespmem:s0+$0xF238];
	_ =	sdelay $0x2  }
0x258: {  	s31 =	sshll.u32 s2, $0x9  }
0x259: {  	s4 =	sshra.s32 s31, $0x2  }
0x25a: {  	[tilespmem:s4+$0xF238] =	vst v0  }
0x25b: {  	v0 =	vld [tilespmem:s0+$0xF248];
	_ =	sdelay $0x4  }
0x25c: {  	[tilespmem:s4+$0xF248] =	vst v0  }
0x25d: {  	v0 =	vld [tilespmem:s0+$0xF258];
	_ =	sdelay $0x4  }
0x25e: {  	[tilespmem:s4+$0xF258] =	vst v0  }
0x25f: {  	v0 =	vld [tilespmem:s0+$0xF268];
	_ =	sdelay $0x4  }
0x260: {  	[tilespmem:s4+$0xF268] =	vst v0  }
0x261: {  	v0 =	vld [tilespmem:s0+$0xF278];
	_ =	sdelay $0x4  }
0x262: {  	[tilespmem:s4+$0xF278] =	vst v0  }
0x263: {  	v0 =	vld [tilespmem:s0+$0xF288];
	_ =	sdelay $0x4  }
0x264: {  	[tilespmem:s4+$0xF288] =	vst v0  }
0x265: {  	v0 =	vld [tilespmem:s0+$0xF298];
	_ =	sdelay $0x4  }
0x266: {  	[tilespmem:s4+$0xF298] =	vst v0  }
0x267: {  	v0 =	vld [tilespmem:s0+$0xF2A8];
	_ =	sdelay $0x4  }
0x268: {  	s2 =	sadd.s32 $0x1, s2;
	[tilespmem:s4+$0xF2A8] =	vst v0  }
.LBB2_48:
0x269: {  	s3 =	sadd.s32 $0x1, s3  }
0x26a: {  	p1 =	sne.s32 s3, $0x20  }
.Ltmp32:
0x26b: {  	_ = 	snop;
	(pc) =	sbr.rel @!p1 .LBB2_49-.Ltmp32, $1  }
0x26c: {  	_ =	sdelay $0x3  }
.LBB2_41:
0x26d: {  	v0 =	vld.msk [tilespmem:s3+$0xF218], $0x1;
	_ =	sdelay $0x4  }
0x26e: {  	(v2sf) =	vpush v0, $0x0;
	_ =	sdelay $0xe  }
0x26f: {  	s4 =	spop (v2sf)  }
0x270: {  	p1 =	seq.s32 s4, $0xFFFFFFFF  }
.Ltmp33:
0x271: {  	_ = 	snop;
	(pc) =	sbr.rel @p1 .LBB2_48-.Ltmp33, $1  }
0x272: {  	_ =	sdelay $0x3  }
0x273: {  	p1 =	slt.s32 s2, $0x1  }
.Ltmp34:
0x274: {  	_ = 	snop;
	(pc) =	sbr.rel @p1 .LBB2_47-.Ltmp34, $1  }
0x275: {  	_ =	sdelay $0x3  }
0x276: {  	s5 =	simm.s32 $0xF218;
	p1 =	por $0x0, $0x0  }
0x277: {  	v1 =	vld.msk @!p1 [tilespmem:s5+$0x0], $0x1;
	_ =	sdelay $0x4  }
0x278: {  	(v2sf) =	vpush @!p1 v1, $0x0;
	_ =	sdelay $0xd  }
0x279: {  	p3 =	sne.s32 s2, $0x1  }
.Ltmp35:
0x27a: {  	s0 =	spop @!p1 (v2sf);
	(pc) =	sbr.rel @!p3 .LBB2_45-.Ltmp35, $4  }
0x27b: {  	p2 =	seq.s32 @!p1 s4, s0  }
0x27c: {  	s6 =	simm.s32 $0x0;
	p2 =	por !p2, p1  }
0x27d: {  	s7 =	simm.s32 $0xFFFFFFFF;
	s6 =	simm.s32 @p2 $0xFFFFFFFF  }
0x27e: {  	s0 =	simm.s32 $0x1;
	s6 =	smov.u32 @p1 s7  }
.LBB2_44:
0x27f: {  	s7 =	smov.u32 s6;
	p1 =	sne.s32 s6, $0xFFFFFFFF  }
0x280: {  	s5 =	sadd.s32 $0x1, s5;
	s6 =	smov.u32 s0;
	s0 =	sadd.s32 $0x1, s0  }
0x281: {  	p2 =	sne.s32 s2, s0;
	v1 =	vld.msk @!p1 [tilespmem:s5+$0x0], $0x1;
	_ =	sdelay $0x4  }
0x282: {  	(v2sf) =	vpush @!p1 v1, $0x0;
	_ =	sdelay $0xe  }
.Ltmp36:
0x283: {  	s8 =	spop @!p1 (v2sf);
	(pc) =	sbr.rel @p2 .LBB2_44-.Ltmp36, $4  }
0x284: {  	p3 =	seq.s32 @!p1 s4, s8  }
0x285: {  	p3 =	por !p3, p1  }
0x286: {  	s6 =	simm.s32 @p3 $0xFFFFFFFF  }
0x287: {  	s6 =	smov.u32 @p1 s7  }
.LBB2_45:
0x288: {  	p1 =	seq.s32 s6, $0xFFFFFFFF  }
.Ltmp37:
0x289: {  	_ = 	snop;
	(pc) =	sbr.rel @p1 .LBB2_47-.Ltmp37, $1  }
0x28a: {  	_ =	sdelay $0x3  }
0x28b: {  	s0 =	sshll.u32 s3, $0x7  }
0x28c: {  	s4 =	sshll.u32 s6, $0x9;
	s0 =	sand.u32 $0x3FFFFF80, s0  }
0x28d: {  	s4 =	sshra.s32 s4, $0x2;
	v0 =	vld [tilespmem:s0+$0xF238]  }
0x28e: {  	v1 =	vld [tilespmem:s4+$0xF238];
	_ =	sdelay $0x4  }
0x28f: {  	v0 =	vmax.f32 v0, v1  }
0x290: {  	v57 =	vld [tilespmem:s4+$0xF248];
	[tilespmem:s4+$0xF238] =	vst v0  }
0x291: {  	v0 =	vld [tilespmem:s0+$0xF248];
	_ =	sdelay $0x4  }
0x292: {  	v0 =	vmax.f32 v0, v57  }
0x293: {  	v58 =	vld [tilespmem:s4+$0xF258];
	[tilespmem:s4+$0xF248] =	vst v0  }
0x294: {  	v0 =	vld [tilespmem:s0+$0xF258];
	_ =	sdelay $0x4  }
0x295: {  	v0 =	vmax.f32 v0, v58  }
0x296: {  	v59 =	vld [tilespmem:s4+$0xF268];
	[tilespmem:s4+$0xF258] =	vst v0  }
0x297: {  	v0 =	vld [tilespmem:s0+$0xF268];
	_ =	sdelay $0x4  }
0x298: {  	v0 =	vmax.f32 v0, v59  }
0x299: {  	v60 =	vld [tilespmem:s4+$0xF278];
	[tilespmem:s4+$0xF268] =	vst v0  }
0x29a: {  	v0 =	vld [tilespmem:s0+$0xF278];
	_ =	sdelay $0x4  }
0x29b: {  	v0 =	vmax.f32 v0, v60  }
0x29c: {  	v61 =	vld [tilespmem:s4+$0xF288];
	[tilespmem:s4+$0xF278] =	vst v0  }
0x29d: {  	v0 =	vld [tilespmem:s0+$0xF288];
	_ =	sdelay $0x4  }
0x29e: {  	v0 =	vmax.f32 v0, v61  }
0x29f: {  	v62 =	vld [tilespmem:s4+$0xF298];
	[tilespmem:s4+$0xF288] =	vst v0  }
0x2a0: {  	v0 =	vld [tilespmem:s0+$0xF298];
	_ =	sdelay $0x4  }
0x2a1: {  	v0 =	vmax.f32 v0, v62  }
0x2a2: {  	v63 =	vld [tilespmem:s4+$0xF2A8];
	[tilespmem:s4+$0xF298] =	vst v0  }
0x2a3: {  	v0 =	vld [tilespmem:s0+$0xF2A8];
	_ =	sdelay $0x1  }
.Ltmp38:
0x2a4: {  	_ = 	snop;
	(pc) =	sbr.rel .LBB2_48-.Ltmp38, $3  }
0x2a5: {  	_ =	sdelay $0x1  }
0x2a6: {  	v0 =	vmax.f32 v0, v63  }
0x2a7: {  	[tilespmem:s4+$0xF2A8] =	vst v0  }
.LBB2_49:
0x2a8: {  	p1 =	slt.s32 s2, $0x1  }
.Ltmp39:
0x2a9: {  	_ = 	snop;
	(pc) =	sbr.rel @p1 .LBB2_53-.Ltmp39, $3  }
0x2aa: {  	_ =	sdelay $0x1  }
0x2ab: {  	s0 =	simm.s32 $0x8  }
0x2ac: {  	s3 =	simm.s32 $0x0;
	[sflag:s0] =	ssyncpa.u1 $0x1  }
0x2ad: {  	s0 =	simm.s32 $0xF218  }
0x2ae: {  	v0 =	vld.msk [tilespmem:s0+$0x0], $0x1;
	_ =	sdelay $0x4  }
0x2af: {  	(v2sf) =	vpush v0, $0x0;
	_ =	sdelay $0xe  }
0x2b0: {  	s0 =	sadd.s32 $0xFFFFFFFF, s2;
	s5 =	spop (v2sf)  }
0x2b1: {  	p2 =	sne.s32 s0, $0x0;
	p1 =	sgt.u32 s5, $0xC34F0  }
.Ltmp40:
0x2b2: {  	s6 =	sand.u32 @!p1 $0xFFFF8, s5;
	(pc) =	sbr.rel @!p2 .LBB2_52-.Ltmp40, $4  }
0x2b3: {  	s4 =	simm.s32 $0xF238;
	s5 =	sand.u32 @!p1 $0x7, s5;
	s2 =	sadd.s32 @!p1 s1, s6  }
0x2b4: {  	[hbm4b:s2+s5] =	stream.linear.scatter @!p1 [tilespmem:s4], [sflag:$0x7], $0x80, $0x38;
	[tilespmem:$0x1F6F8] =	vst v63  }
0x2b5: {  	s5 =	simm.s32 $0x0  }
0x2b6: {  	s2 =	simm.s32 $0xF219;
	s5 =	simm.s32 @!p1 $0x200  }
.LBB2_51:
0x2b7: {  	v0 =	vld.msk [tilespmem:s2+$0x0], $0x1;
	s0 =	sadd.s32 $0xFFFFFFFF, s0;
	s3 =	sadd.s32 s3, s5  }
0x2b8: {  	p1 =	sne.s32 s0, $0x0;
	_ =	sdelay $0x3  }
0x2b9: {  	(v2sf) =	vpush v0, $0x0;
	_ =	sdelay $0xe  }
.Ltmp41:
0x2ba: {  	s6 =	spop (v2sf);
	(pc) =	sbr.rel @p1 .LBB2_51-.Ltmp41, $4  }
0x2bb: {  	s5 =	simm.s32 $0x0;
	p2 =	sgt.u32 s6, $0xC34F0  }
0x2bc: {  	s4 =	sadd.s32 $0x80, s4;
	s5 =	simm.s32 @!p2 $0x200;
	s7 =	sand.u32 @!p2 $0xFFFF8, s6  }
0x2bd: {  	s2 =	sadd.s32 $0x1, s2;
	s6 =	sand.u32 @!p2 $0x7, s6;
	s7 =	sadd.s32 @!p2 s1, s7  }
0x2be: {  	[hbm4b:s7+s6] =	stream.linear.scatter @!p2 [tilespmem:s4], [sflag:$0x7], $0x80, $0x38;
	[tilespmem:$0x1F6F8] =	vst v63  }
.LBB2_52:
0x2bf: {  	s0 =	sadd.s32 s3, s5  }
0x2c0: {  	s3 =	sshrl.u32 s0, $0x2  }
.LBB2_53:
0x2c1: {  	s0 =	simm.s32 $0x7  }
0x2c2: {  	_ =	swait.ge [sflag:s0], s3  }
0x2c3: {  	s1 =	ssub.s32 $0x0, s3;
	[sflag:s0] =	ssyncset.done $0x0  }
0x2c4: {  	[sflag:s0] =	ssyncadd.s32 s1  }
0x2c5: {  	[sflag:s0] =	ssyncpa.u1 $0x1  }
.LBB2_54:
0x2c6: {  	_ =	sfence;
	s0 =	simm.s32 $0x1  }
0x2c7: {  	[sflag:s0] =	ssyncpa.u1 $0x1  }
0x2c8: {  	_ =	strace $0x90000047  }
0x2c9: {  	[bflag:$0x2] =	sbarrier.arrive $0xFFFF  }
0x2ca: {  	s0 =	rddreg [dreg:$0x4]  }
0x2cb: {  	s0 =	sadd.s32 @!p0 $0x100000, s0  }
0x2cc: {  	[sflag:s0] =	ssyncadd.tile.s32 @!p0 $0x1;
	_ =	shalt  }
.Lfunc_end2:
_tile_overlayer_lowered:
.L_overlay_start_2:
0x2cd: {  	(tag) =	ssettag $0x2  }
0x2ce: {  	s0 =	rddreg [dreg:$0x0];
	s2 =	stileid.u32  }
0x2cf: {  	s1 =	rddreg [dreg:$0x1];
	p0 =	sne.s32 s2, $0x0  }
0x2d0: {  	s3 =	rddreg [dreg:$0x2];
	[bflag:$0x3] =	sbarrier.arrive $0xFFFF;
	s2 =	simm.s32 @!p0 $0x1C01  }
0x2d1: {  	[timem:s3], [sflag:s2] =	dma.local @!p0 [hbm:s0], s1  }
0x2d2: {  	s0 =	simm.s32 @!p0 $0x1  }
0x2d3: {  	_ =	swait.ge @!p0 [sflag:s0], s1  }
0x2d4: {  	s1 =	ssub.s32 @!p0 $0x0, s1;
	[sflag:s0] =	ssyncset.done @!p0 $0x0  }
0x2d5: {  	[sflag:s0] =	ssyncadd.s32 @!p0 s1  }
0x2d6: {  	[bflag:$0x3] =	sbarrier.arrive $0xFFFF  }
0x2d7: {  	_ =	shalt  }

</sc_bundles>
